<compile_context>
chip_gen: v7x
topology: tpu7x:2x2x1
jax: 0.10.2.dev20260603
libtpu: 0.0.44.dev20260713+nightly
codegen_flags: <defaults>
</compile_context>

<pallas_src>
import functools

import jax
import jax.numpy as jnp
from jax import lax
from jax.experimental import pallas as pl
from jax.experimental.pallas import tpu as pltpu
from jax.experimental.pallas import tpu_sc as plsc

B, D, C = 4096, 2048, 512
TAU = 0.5
EPS = 1e-12

NC, NS, L = 2, 16, 16
NW = NC * NS
ROWS_PER_TILE = B // NW
CHUNK = 32
NCHUNK = ROWS_PER_TILE // CHUNK
DH = D // 2


def _sc_body(feat, label, out, acc, buf0, buf1, zbuf, idx,
             sem0, sem1, ssem0, ssem1):
    cid = lax.axis_index("c")
    sid = lax.axis_index("s")
    zeros16 = jnp.zeros((L,), jnp.float32)

    def zb_body(j, _):
        base = pl.multiple_of(j * L, L)
        for r in range(8):
            for jj in range(DH // 128):
                zbuf[r, jj, pl.ds(base, L)] = zeros16
        return 0
    lax.fori_loop(0, 128 // L, zb_body, 0)

    my_rows0 = (cid * NS + sid) * ROWS_PER_TILE
    acc_r0 = sid * (C // NS)

    for g in range(NCHUNK):
        pltpu.sync_copy(label.at[pl.ds(my_rows0 + g * CHUNK, CHUNK)],
                        idx.at[g])

    bufs = (buf0, buf1)
    sems = (sem0, sem1)
    ssems = (ssem0, ssem1)
    for h in range(2):
        for z in range(4):
            pltpu.sync_copy(zbuf, acc.at[pl.ds(acc_r0 + 8 * z, 8)])
        plsc.subcore_barrier()

        def load(g):
            row0 = my_rows0 + g * CHUNK
            return pltpu.async_copy(
                feat.at[pl.ds(row0, CHUNK), pl.ds(h * (DH // 128), DH // 128)],
                bufs[g % 2], sems[g % 2])

        pend = [load(0), load(1)]
        scat = [None, None]
        for g in range(NCHUNK):
            pend[g % 2].wait()
            scat[g % 2] = pltpu.async_copy(
                bufs[g % 2], acc.at[idx.at[g]], ssems[g % 2], add=True)
            if g + 2 < NCHUNK:
                scat[g % 2].wait()
                pend[g % 2] = load(g + 2)
        for g in (NCHUNK - 2, NCHUNK - 1):
            scat[g % 2].wait()

        plsc.subcore_barrier()
        pltpu.sync_copy(
            acc.at[pl.ds(acc_r0, C // NS)],
            out.at[cid, pl.ds(acc_r0, C // NS),
                   pl.ds(h * (DH // 128), DH // 128)])


@functools.partial(jax.jit, static_argnames=())
def _sc_segment_sums(feat, label):
    mesh = plsc.VectorSubcoreMesh(core_axis_name="c", subcore_axis_name="s",
                                  num_cores=NC, num_subcores=NS)
    return pl.kernel(
        _sc_body,
        out_type=jax.ShapeDtypeStruct((NC, C, D // 128, 128), jnp.float32),
        mesh=mesh,
        compiler_params=pltpu.CompilerParams(needs_layout_passes=False,
                                             use_tc_tiling_on_sc=False),
        scratch_types=[
            pltpu.VMEM_SHARED((C, DH // 128, 128), jnp.float32),
            pltpu.VMEM((CHUNK, DH // 128, 128), jnp.float32),
            pltpu.VMEM((CHUNK, DH // 128, 128), jnp.float32),
            pltpu.VMEM((8, DH // 128, 128), jnp.float32),
            pltpu.VMEM((NCHUNK, CHUNK), jnp.int32),
            pltpu.SemaphoreType.DMA,
            pltpu.SemaphoreType.DMA,
            pltpu.SemaphoreType.DMA,
            pltpu.SemaphoreType.DMA,
        ],
    )(feat, label)


def _tc_norm_body(x_ref, o_ref):
    x = x_ref[...]
    s = jnp.sum(x * x, axis=1, keepdims=True)
    xn = x * lax.rsqrt(jnp.maximum(s, 1e-24))
    o_ref[...] = xn.reshape(o_ref.shape)


def _tc_normalize(x):
    blk = 512
    return pl.pallas_call(
        _tc_norm_body,
        grid=(B // blk,),
        in_specs=[pl.BlockSpec((blk, D), lambda i: (i, 0))],
        out_specs=pl.BlockSpec((blk, D // 128, 128), lambda i: (i, 0, 0)),
        out_shape=jax.ShapeDtypeStruct((B, D // 128, 128), jnp.float32),
    )(x)


def _counts_from(label_ref):
    lab = label_ref[...]
    oh = (lab == lax.broadcasted_iota(jnp.int32, (B, C), 1))
    return jnp.sum(oh.astype(jnp.float32), axis=0)


def _center_matrix(p_ref, counts):
    n = jnp.maximum(counts, 1.0)
    s = (p_ref[0] + p_ref[1]).reshape(C, D)
    ns2 = jnp.sum(s * s, axis=1)
    inv = 1.0 / jnp.maximum(jnp.sqrt(ns2), n * EPS)
    t = (B + jnp.sum(counts * ns2 * inv * inv)
         - 2.0 * jnp.sum(ns2 * inv)) / B
    return (s * inv[:, None]).astype(jnp.bfloat16), t


def _tc_prep_body(p_ref, label_ref, u_ref, t_ref):
    counts = _counts_from(label_ref)
    u, t = _center_matrix(p_ref, counts)
    t_ref[0, 0] = t
    u_ref[...] = u


def _tc_prep(partial, lab2d):
    return pl.pallas_call(
        _tc_prep_body,
        out_shape=(jax.ShapeDtypeStruct((C, D), jnp.bfloat16),
                   jax.ShapeDtypeStruct((1, 1), jnp.float32)),
        out_specs=(pl.BlockSpec(),
                   pl.BlockSpec(memory_space=pltpu.SMEM)),
    )(partial, lab2d)


def _tc_final_body(prp_ref, uvp_ref, uap_ref, tvp_ref, tap_ref,
                   label_ref, out_ref):
    counts = _counts_from(label_ref)
    present = counts > 0.0
    n_present = jnp.sum(jnp.where(present, 1.0, 0.0))
    urp, trp = _center_matrix(prp_ref, counts)
    total = tvp_ref[0, 0] + tap_ref[0, 0] + trp

    us = (uvp_ref[...], uap_ref[...], urp)
    rows_i = lax.broadcasted_iota(jnp.int32, (C, C), 0)
    cols_i = lax.broadcasted_iota(jnp.int32, (C, C), 1)
    eye = rows_i == cols_i
    for a, b in ((0, 1), (0, 2), (1, 2)):
        g = lax.dot_general(us[a], us[b], (((1,), (1,)), ((), ())),
                            preferred_element_type=jnp.float32) / TAU
        diag = jnp.sum(jnp.where(eye, g, 0.0), axis=1)
        gm = jnp.where(present[None, :], g, -jnp.inf)
        m = jnp.max(gm, axis=1)
        lse = m + jnp.log(jnp.sum(jnp.exp(gm - m[:, None]), axis=1))
        total += jnp.sum(jnp.where(present, lse - diag, 0.0)) / n_present

    out_ref[0, 0] = total


def _tc_finish(prp, preps, lab2d):
    (uvp, tvp), (uap, tap) = preps
    return pl.pallas_call(
        _tc_final_body,
        out_shape=jax.ShapeDtypeStruct((1, 1), jnp.float32),
        in_specs=[pl.BlockSpec(), pl.BlockSpec(), pl.BlockSpec(),
                  pl.BlockSpec(memory_space=pltpu.SMEM),
                  pl.BlockSpec(memory_space=pltpu.SMEM),
                  pl.BlockSpec()],
        out_specs=pl.BlockSpec(memory_space=pltpu.SMEM),
    )(prp, uvp, uap, tvp, tap, lab2d)


def kernel(feat_vp, feat_ap, feat_rp, label):
    lab2d = label.reshape(B, 1)
    preps = [
        _tc_prep(_sc_segment_sums(_tc_normalize(f), label), lab2d)
        for f in (feat_vp, feat_ap)
    ]
    prp = _sc_segment_sums(_tc_normalize(feat_rp), label)
    loss = _tc_finish(prp, preps, lab2d)
    return loss[0, 0]

# --- scband reference (transcript-rebuilt; emitter-appended) ---
"""Pipeline reference for scband-batch-alignment-loss-53326313947666 (READ-ONLY COPY).

The authoritative reference and input builder live on the scoring server;
editing this copy changes nothing except your own understanding.
"""

import jax, jax.numpy as jnp
import numpy as np

TAU = 0.5


def _normalize(x, eps=1e-12):
    n = jnp.linalg.norm(x, axis=1, keepdims=True)
    return x / jnp.maximum(n, eps)


def setup_inputs(seed: int = 0) -> dict:
    key = jax.random.key(seed)
    k1, k2, k3, k4 = jax.random.split(key, 4)
    B, D, C = 4096, 2048, 512
    return {
        "feat_vp": jax.random.normal(k1, (B, D), dtype=jnp.float32),
        "feat_ap": jax.random.normal(k2, (B, D), dtype=jnp.float32),
        "feat_rp": jax.random.normal(k3, (B, D), dtype=jnp.float32),
        "label": jax.random.randint(k4, (B,), 0, C, dtype=jnp.int32),
    }


def reference(feat_vp, feat_ap, feat_rp, label):
    B = feat_vp.shape[0]
    fvp = _normalize(feat_vp)
    fap = _normalize(feat_ap)
    frp = _normalize(feat_rp)

    num_seg = 512
    counts = jax.ops.segment_sum(jnp.ones((B,), dtype=fvp.dtype), label, num_segments=num_seg)
    present = counts > 0
    safe_counts = jnp.maximum(counts, 1.0)[:, None]
    mean_vp = jax.ops.segment_sum(fvp, label, num_segments=num_seg) / safe_counts
    mean_ap = jax.ops.segment_sum(fap, label, num_segments=num_seg) / safe_counts
    mean_rp = jax.ops.segment_sum(frp, label, num_segments=num_seg) / safe_counts

    # per-sample class centers (matches the python loop over label)
    center_vp = _normalize(mean_vp[label])
    center_ap = _normalize(mean_ap[label])
    center_rp = _normalize(mean_rp[label])

    uni_center_vp = _normalize(mean_vp)
    uni_center_ap = _normalize(mean_ap)
    uni_center_rp = _normalize(mean_rp)

    loss_intra = (((fvp - center_vp) ** 2).sum(1).mean()
                  + ((fap - center_ap) ** 2).sum(1).mean()
                  + ((frp - center_rp) ** 2).sum(1).mean())

    def _inter(a, b):
        logits = a @ b.T / TAU
        logits = jnp.where(present[None, :], logits, -jnp.inf)
        p = jax.nn.softmax(logits, axis=1)
        diag = jnp.diagonal(p)
        diag = jnp.where(present, diag, 1.0)
        n_present = jnp.sum(present.astype(a.dtype))
        return jnp.sum(jnp.where(present, -jnp.log(diag), 0.0)) / n_present

    loss_inter = (_inter(uni_center_vp, uni_center_ap)
                  + _inter(uni_center_vp, uni_center_rp)
                  + _inter(uni_center_ap, uni_center_rp))

    return loss_intra + loss_inter

if __name__ == "__main__":
    import jax
    _d = setup_inputs()
    print(jax.jit(kernel)(*tuple(_d.values())))

</pallas_src>

<mosaic_0001>
#map = affine_map<(d0, d1) -> (0, 0, 0)>
#map1 = affine_map<(d0, d1) -> (0)>
#map2 = affine_map<(d0, d1) -> (0, 0, 0, 0)>
module attributes {stable_mosaic.version = 14 : i64} {
  func.func @_sc_body(%arg0: i32, %arg1: i32, %arg2: memref<4096x16x128xf32, #tpu.memory_space<hbm>>, %arg3: memref<4096xi32, #tpu.memory_space<hbm>>, %arg4: memref<2x512x16x128xf32, #tpu.memory_space<hbm>>, %arg5: memref<512x8x128xf32, #tpu.memory_space<vmem_shared>>, %arg6: memref<32x8x128xf32, #tpu.memory_space<vmem>>, %arg7: memref<32x8x128xf32, #tpu.memory_space<vmem>>, %arg8: memref<8x8x128xf32, #tpu.memory_space<vmem>>, %arg9: memref<4x32xi32, #tpu.memory_space<vmem>>, %arg10: memref<!tpu.dma_semaphore, #tpu.memory_space<semaphore_mem>>, %arg11: memref<!tpu.dma_semaphore, #tpu.memory_space<semaphore_mem>>, %arg12: memref<!tpu.dma_semaphore, #tpu.memory_space<semaphore_mem>>, %arg13: memref<!tpu.dma_semaphore, #tpu.memory_space<semaphore_mem>>) attributes {dimension_semantics = [#tpu.dimension_semantics<core_parallel>, #tpu.dimension_semantics<subcore_parallel>], iteration_bounds = array<i64: 2, 16>, scalar_prefetch = 0 : i64, scratch_operands = 9 : i64, tpu.core_type = #tpu.core_type<sc_vector_subcore>, window_params = [{transform_indices = #map}, {transform_indices = #map1}, {transform_indices = #map2}]} {
    %broadcast_in_dim3A = arith.constant 0.000000e+00 : f32
    %broadcast_in_dim3A_0 = vector.broadcast %broadcast_in_dim3A : f32 to vector<16xf32>
    %scan3A = arith.constant 0 : i32
    %scan3A_1 = arith.constant 0 : i32
    %scan3A_2 = arith.constant 8 : i32
    %scan3A_3 = arith.addi %scan3A_1, %scan3A_2 : i32
    %scan3A_4 = arith.constant 1 : i32
    %scan3A_5 = scf.for %scan3A_280 = %scan3A_1 to %scan3A_3 step %scan3A_4 iter_args(%scan3A_281 = %scan3A) -> (i32)  : i32 {
      %mul3A_282 = arith.constant 16 : i32
      %mul3A_283 = arith.muli %scan3A_280, %mul3A_282 : i32
      %multiple_of3A = tpu.assume_multiple %mul3A_283, 16 : i32
      %swap3A = arith.constant 0 : i32
      %swap3A_284 = arith.constant 0 : i32
      %swap3A_285 = arith.index_cast %swap3A : i32 to index
      %swap3A_286 = arith.index_cast %swap3A_284 : i32 to index
      %swap3A_287 = arith.index_cast %multiple_of3A : i32 to index
      %swap3A_288 = tpu.vector_load %arg8[%swap3A_285, %swap3A_286, %swap3A_287] {strides = array<i32>} : memref<8x8x128xf32, #tpu.memory_space<vmem>>, vector<16xf32>,
      tpu.vector_store %arg8[%swap3A_285, %swap3A_286, %swap3A_287], %broadcast_in_dim3A_0 {strides = array<i32>} : memref<8x8x128xf32, #tpu.memory_space<vmem>>, vector<16xf32>,
      %swap3A_289 = arith.constant 0 : i32
      %swap3A_290 = arith.constant 1 : i32
      %swap3A_291 = arith.index_cast %swap3A_289 : i32 to index
      %swap3A_292 = arith.index_cast %swap3A_290 : i32 to index
      %swap3A_293 = arith.index_cast %multiple_of3A : i32 to index
      %swap3A_294 = tpu.vector_load %arg8[%swap3A_291, %swap3A_292, %swap3A_293] {strides = array<i32>} : memref<8x8x128xf32, #tpu.memory_space<vmem>>, vector<16xf32>,
      tpu.vector_store %arg8[%swap3A_291, %swap3A_292, %swap3A_293], %broadcast_in_dim3A_0 {strides = array<i32>} : memref<8x8x128xf32, #tpu.memory_space<vmem>>, vector<16xf32>,
      %swap3A_295 = arith.constant 0 : i32
      %swap3A_296 = arith.constant 2 : i32
      %swap3A_297 = arith.index_cast %swap3A_295 : i32 to index
      %swap3A_298 = arith.index_cast %swap3A_296 : i32 to index
      %swap3A_299 = arith.index_cast %multiple_of3A : i32 to index
      %swap3A_300 = tpu.vector_load %arg8[%swap3A_297, %swap3A_298, %swap3A_299] {strides = array<i32>} : memref<8x8x128xf32, #tpu.memory_space<vmem>>, vector<16xf32>,
      tpu.vector_store %arg8[%swap3A_297, %swap3A_298, %swap3A_299], %broadcast_in_dim3A_0 {strides = array<i32>} : memref<8x8x128xf32, #tpu.memory_space<vmem>>, vector<16xf32>,
      %swap3A_301 = arith.constant 0 : i32
      %swap3A_302 = arith.constant 3 : i32
      %swap3A_303 = arith.index_cast %swap3A_301 : i32 to index
      %swap3A_304 = arith.index_cast %swap3A_302 : i32 to index
      %swap3A_305 = arith.index_cast %multiple_of3A : i32 to index
      %swap3A_306 = tpu.vector_load %arg8[%swap3A_303, %swap3A_304, %swap3A_305] {strides = array<i32>} : memref<8x8x128xf32, #tpu.memory_space<vmem>>, vector<16xf32>,
      tpu.vector_store %arg8[%swap3A_303, %swap3A_304, %swap3A_305], %broadcast_in_dim3A_0 {strides = array<i32>} : memref<8x8x128xf32, #tpu.memory_space<vmem>>, vector<16xf32>,
      %swap3A_307 = arith.constant 0 : i32
      %swap3A_308 = arith.constant 4 : i32
      %swap3A_309 = arith.index_cast %swap3A_307 : i32 to index
      %swap3A_310 = arith.index_cast %swap3A_308 : i32 to index
      %swap3A_311 = arith.index_cast %multiple_of3A : i32 to index
      %swap3A_312 = tpu.vector_load %arg8[%swap3A_309, %swap3A_310, %swap3A_311] {strides = array<i32>} : memref<8x8x128xf32, #tpu.memory_space<vmem>>, vector<16xf32>,
      tpu.vector_store %arg8[%swap3A_309, %swap3A_310, %swap3A_311], %broadcast_in_dim3A_0 {strides = array<i32>} : memref<8x8x128xf32, #tpu.memory_space<vmem>>, vector<16xf32>,
      %swap3A_313 = arith.constant 0 : i32
      %swap3A_314 = arith.constant 5 : i32
      %swap3A_315 = arith.index_cast %swap3A_313 : i32 to index
      %swap3A_316 = arith.index_cast %swap3A_314 : i32 to index
      %swap3A_317 = arith.index_cast %multiple_of3A : i32 to index
      %swap3A_318 = tpu.vector_load %arg8[%swap3A_315, %swap3A_316, %swap3A_317] {strides = array<i32>} : memref<8x8x128xf32, #tpu.memory_space<vmem>>, vector<16xf32>,
      tpu.vector_store %arg8[%swap3A_315, %swap3A_316, %swap3A_317], %broadcast_in_dim3A_0 {strides = array<i32>} : memref<8x8x128xf32, #tpu.memory_space<vmem>>, vector<16xf32>,
      %swap3A_319 = arith.constant 0 : i32
      %swap3A_320 = arith.constant 6 : i32
      %swap3A_321 = arith.index_cast %swap3A_319 : i32 to index
      %swap3A_322 = arith.index_cast %swap3A_320 : i32 to index
      %swap3A_323 = arith.index_cast %multiple_of3A : i32 to index
      %swap3A_324 = tpu.vector_load %arg8[%swap3A_321, %swap3A_322, %swap3A_323] {strides = array<i32>} : memref<8x8x128xf32, #tpu.memory_space<vmem>>, vector<16xf32>,
      tpu.vector_store %arg8[%swap3A_321, %swap3A_322, %swap3A_323], %broadcast_in_dim3A_0 {strides = array<i32>} : memref<8x8x128xf32, #tpu.memory_space<vmem>>, vector<16xf32>,
      %swap3A_325 = arith.constant 0 : i32
      %swap3A_326 = arith.constant 7 : i32
      %swap3A_327 = arith.index_cast %swap3A_325 : i32 to index
      %swap3A_328 = arith.index_cast %swap3A_326 : i32 to index
      %swap3A_329 = arith.index_cast %multiple_of3A : i32 to index
      %swap3A_330 = tpu.vector_load %arg8[%swap3A_327, %swap3A_328, %swap3A_329] {strides = array<i32>} : memref<8x8x128xf32, #tpu.memory_space<vmem>>, vector<16xf32>,
      tpu.vector_store %arg8[%swap3A_327, %swap3A_328, %swap3A_329], %broadcast_in_dim3A_0 {strides = array<i32>} : memref<8x8x128xf32, #tpu.memory_space<vmem>>, vector<16xf32>,
      %swap3A_331 = arith.constant 1 : i32
      %swap3A_332 = arith.constant 0 : i32
      %swap3A_333 = arith.index_cast %swap3A_331 : i32 to index
      %swap3A_334 = arith.index_cast %swap3A_332 : i32 to index
      %swap3A_335 = arith.index_cast %multiple_of3A : i32 to index
      %swap3A_336 = tpu.vector_load %arg8[%swap3A_333, %swap3A_334, %swap3A_335] {strides = array<i32>} : memref<8x8x128xf32, #tpu.memory_space<vmem>>, vector<16xf32>,
      tpu.vector_store %arg8[%swap3A_333, %swap3A_334, %swap3A_335], %broadcast_in_dim3A_0 {strides = array<i32>} : memref<8x8x128xf32, #tpu.memory_space<vmem>>, vector<16xf32>,
      %swap3A_337 = arith.constant 1 : i32
      %swap3A_338 = arith.constant 1 : i32
      %swap3A_339 = arith.index_cast %swap3A_337 : i32 to index
      %swap3A_340 = arith.index_cast %swap3A_338 : i32 to index
      %swap3A_341 = arith.index_cast %multiple_of3A : i32 to index
      %swap3A_342 = tpu.vector_load %arg8[%swap3A_339, %swap3A_340, %swap3A_341] {strides = array<i32>} : memref<8x8x128xf32, #tpu.memory_space<vmem>>, vector<16xf32>,
      tpu.vector_store %arg8[%swap3A_339, %swap3A_340, %swap3A_341], %broadcast_in_dim3A_0 {strides = array<i32>} : memref<8x8x128xf32, #tpu.memory_space<vmem>>, vector<16xf32>,
      %swap3A_343 = arith.constant 1 : i32
      %swap3A_344 = arith.constant 2 : i32
      %swap3A_345 = arith.index_cast %swap3A_343 : i32 to index
      %swap3A_346 = arith.index_cast %swap3A_344 : i32 to index
      %swap3A_347 = arith.index_cast %multiple_of3A : i32 to index
      %swap3A_348 = tpu.vector_load %arg8[%swap3A_345, %swap3A_346, %swap3A_347] {strides = array<i32>} : memref<8x8x128xf32, #tpu.memory_space<vmem>>, vector<16xf32>,
      tpu.vector_store %arg8[%swap3A_345, %swap3A_346, %swap3A_347], %broadcast_in_dim3A_0 {strides = array<i32>} : memref<8x8x128xf32, #tpu.memory_space<vmem>>, vector<16xf32>,
      %swap3A_349 = arith.constant 1 : i32
      %swap3A_350 = arith.constant 3 : i32
      %swap3A_351 = arith.index_cast %swap3A_349 : i32 to index
      %swap3A_352 = arith.index_cast %swap3A_350 : i32 to index
      %swap3A_353 = arith.index_cast %multiple_of3A : i32 to index
      %swap3A_354 = tpu.vector_load %arg8[%swap3A_351, %swap3A_352, %swap3A_353] {strides = array<i32>} : memref<8x8x128xf32, #tpu.memory_space<vmem>>, vector<16xf32>,
      tpu.vector_store %arg8[%swap3A_351, %swap3A_352, %swap3A_353], %broadcast_in_dim3A_0 {strides = array<i32>} : memref<8x8x128xf32, #tpu.memory_space<vmem>>, vector<16xf32>,
      %swap3A_355 = arith.constant 1 : i32
      %swap3A_356 = arith.constant 4 : i32
      %swap3A_357 = arith.index_cast %swap3A_355 : i32 to index
      %swap3A_358 = arith.index_cast %swap3A_356 : i32 to index
      %swap3A_359 = arith.index_cast %multiple_of3A : i32 to index
      %swap3A_360 = tpu.vector_load %arg8[%swap3A_357, %swap3A_358, %swap3A_359] {strides = array<i32>} : memref<8x8x128xf32, #tpu.memory_space<vmem>>, vector<16xf32>,
      tpu.vector_store %arg8[%swap3A_357, %swap3A_358, %swap3A_359], %broadcast_in_dim3A_0 {strides = array<i32>} : memref<8x8x128xf32, #tpu.memory_space<vmem>>, vector<16xf32>,
      %swap3A_361 = arith.constant 1 : i32
      %swap3A_362 = arith.constant 5 : i32
      %swap3A_363 = arith.index_cast %swap3A_361 : i32 to index
      %swap3A_364 = arith.index_cast %swap3A_362 : i32 to index
      %swap3A_365 = arith.index_cast %multiple_of3A : i32 to index
      %swap3A_366 = tpu.vector_load %arg8[%swap3A_363, %swap3A_364, %swap3A_365] {strides = array<i32>} : memref<8x8x128xf32, #tpu.memory_space<vmem>>, vector<16xf32>,
      tpu.vector_store %arg8[%swap3A_363, %swap3A_364, %swap3A_365], %broadcast_in_dim3A_0 {strides = array<i32>} : memref<8x8x128xf32, #tpu.memory_space<vmem>>, vector<16xf32>,
      %swap3A_367 = arith.constant 1 : i32
      %swap3A_368 = arith.constant 6 : i32
      %swap3A_369 = arith.index_cast %swap3A_367 : i32 to index
      %swap3A_370 = arith.index_cast %swap3A_368 : i32 to index
      %swap3A_371 = arith.index_cast %multiple_of3A : i32 to index
      %swap3A_372 = tpu.vector_load %arg8[%swap3A_369, %swap3A_370, %swap3A_371] {strides = array<i32>} : memref<8x8x128xf32, #tpu.memory_space<vmem>>, vector<16xf32>,
      tpu.vector_store %arg8[%swap3A_369, %swap3A_370, %swap3A_371], %broadcast_in_dim3A_0 {strides = array<i32>} : memref<8x8x128xf32, #tpu.memory_space<vmem>>, vector<16xf32>,
      %swap3A_373 = arith.constant 1 : i32
      %swap3A_374 = arith.constant 7 : i32
      %swap3A_375 = arith.index_cast %swap3A_373 : i32 to index
      %swap3A_376 = arith.index_cast %swap3A_374 : i32 to index
      %swap3A_377 = arith.index_cast %multiple_of3A : i32 to index
      %swap3A_378 = tpu.vector_load %arg8[%swap3A_375, %swap3A_376, %swap3A_377] {strides = array<i32>} : memref<8x8x128xf32, #tpu.memory_space<vmem>>, vector<16xf32>,
      tpu.vector_store %arg8[%swap3A_375, %swap3A_376, %swap3A_377], %broadcast_in_dim3A_0 {strides = array<i32>} : memref<8x8x128xf32, #tpu.memory_space<vmem>>, vector<16xf32>,
      %swap3A_379 = arith.constant 2 : i32
      %swap3A_380 = arith.constant 0 : i32
      %swap3A_381 = arith.index_cast %swap3A_379 : i32 to index
      %swap3A_382 = arith.index_cast %swap3A_380 : i32 to index
      %swap3A_383 = arith.index_cast %multiple_of3A : i32 to index
      %swap3A_384 = tpu.vector_load %arg8[%swap3A_381, %swap3A_382, %swap3A_383] {strides = array<i32>} : memref<8x8x128xf32, #tpu.memory_space<vmem>>, vector<16xf32>,
      tpu.vector_store %arg8[%swap3A_381, %swap3A_382, %swap3A_383], %broadcast_in_dim3A_0 {strides = array<i32>} : memref<8x8x128xf32, #tpu.memory_space<vmem>>, vector<16xf32>,
      %swap3A_385 = arith.constant 2 : i32
      %swap3A_386 = arith.constant 1 : i32
      %swap3A_387 = arith.index_cast %swap3A_385 : i32 to index
      %swap3A_388 = arith.index_cast %swap3A_386 : i32 to index
      %swap3A_389 = arith.index_cast %multiple_of3A : i32 to index
      %swap3A_390 = tpu.vector_load %arg8[%swap3A_387, %swap3A_388, %swap3A_389] {strides = array<i32>} : memref<8x8x128xf32, #tpu.memory_space<vmem>>, vector<16xf32>,
      tpu.vector_store %arg8[%swap3A_387, %swap3A_388, %swap3A_389], %broadcast_in_dim3A_0 {strides = array<i32>} : memref<8x8x128xf32, #tpu.memory_space<vmem>>, vector<16xf32>,
      %swap3A_391 = arith.constant 2 : i32
      %swap3A_392 = arith.constant 2 : i32
      %swap3A_393 = arith.index_cast %swap3A_391 : i32 to index
      %swap3A_394 = arith.index_cast %swap3A_392 : i32 to index
      %swap3A_395 = arith.index_cast %multiple_of3A : i32 to index
      %swap3A_396 = tpu.vector_load %arg8[%swap3A_393, %swap3A_394, %swap3A_395] {strides = array<i32>} : memref<8x8x128xf32, #tpu.memory_space<vmem>>, vector<16xf32>,
      tpu.vector_store %arg8[%swap3A_393, %swap3A_394, %swap3A_395], %broadcast_in_dim3A_0 {strides = array<i32>} : memref<8x8x128xf32, #tpu.memory_space<vmem>>, vector<16xf32>,
      %swap3A_397 = arith.constant 2 : i32
      %swap3A_398 = arith.constant 3 : i32
      %swap3A_399 = arith.index_cast %swap3A_397 : i32 to index
      %swap3A_400 = arith.index_cast %swap3A_398 : i32 to index
      %swap3A_401 = arith.index_cast %multiple_of3A : i32 to index
      %swap3A_402 = tpu.vector_load %arg8[%swap3A_399, %swap3A_400, %swap3A_401] {strides = array<i32>} : memref<8x8x128xf32, #tpu.memory_space<vmem>>, vector<16xf32>,
      tpu.vector_store %arg8[%swap3A_399, %swap3A_400, %swap3A_401], %broadcast_in_dim3A_0 {strides = array<i32>} : memref<8x8x128xf32, #tpu.memory_space<vmem>>, vector<16xf32>,
      %swap3A_403 = arith.constant 2 : i32
      %swap3A_404 = arith.constant 4 : i32
      %swap3A_405 = arith.index_cast %swap3A_403 : i32 to index
      %swap3A_406 = arith.index_cast %swap3A_404 : i32 to index
      %swap3A_407 = arith.index_cast %multiple_of3A : i32 to index
      %swap3A_408 = tpu.vector_load %arg8[%swap3A_405, %swap3A_406, %swap3A_407] {strides = array<i32>} : memref<8x8x128xf32, #tpu.memory_space<vmem>>, vector<16xf32>,
      tpu.vector_store %arg8[%swap3A_405, %swap3A_406, %swap3A_407], %broadcast_in_dim3A_0 {strides = array<i32>} : memref<8x8x128xf32, #tpu.memory_space<vmem>>, vector<16xf32>,
      %swap3A_409 = arith.constant 2 : i32
      %swap3A_410 = arith.constant 5 : i32
      %swap3A_411 = arith.index_cast %swap3A_409 : i32 to index
      %swap3A_412 = arith.index_cast %swap3A_410 : i32 to index
      %swap3A_413 = arith.index_cast %multiple_of3A : i32 to index
      %swap3A_414 = tpu.vector_load %arg8[%swap3A_411, %swap3A_412, %swap3A_413] {strides = array<i32>} : memref<8x8x128xf32, #tpu.memory_space<vmem>>, vector<16xf32>,
      tpu.vector_store %arg8[%swap3A_411, %swap3A_412, %swap3A_413], %broadcast_in_dim3A_0 {strides = array<i32>} : memref<8x8x128xf32, #tpu.memory_space<vmem>>, vector<16xf32>,
      %swap3A_415 = arith.constant 2 : i32
      %swap3A_416 = arith.constant 6 : i32
      %swap3A_417 = arith.index_cast %swap3A_415 : i32 to index
      %swap3A_418 = arith.index_cast %swap3A_416 : i32 to index
      %swap3A_419 = arith.index_cast %multiple_of3A : i32 to index
      %swap3A_420 = tpu.vector_load %arg8[%swap3A_417, %swap3A_418, %swap3A_419] {strides = array<i32>} : memref<8x8x128xf32, #tpu.memory_space<vmem>>, vector<16xf32>,
      tpu.vector_store %arg8[%swap3A_417, %swap3A_418, %swap3A_419], %broadcast_in_dim3A_0 {strides = array<i32>} : memref<8x8x128xf32, #tpu.memory_space<vmem>>, vector<16xf32>,
      %swap3A_421 = arith.constant 2 : i32
      %swap3A_422 = arith.constant 7 : i32
      %swap3A_423 = arith.index_cast %swap3A_421 : i32 to index
      %swap3A_424 = arith.index_cast %swap3A_422 : i32 to index
      %swap3A_425 = arith.index_cast %multiple_of3A : i32 to index
      %swap3A_426 = tpu.vector_load %arg8[%swap3A_423, %swap3A_424, %swap3A_425] {strides = array<i32>} : memref<8x8x128xf32, #tpu.memory_space<vmem>>, vector<16xf32>,
      tpu.vector_store %arg8[%swap3A_423, %swap3A_424, %swap3A_425], %broadcast_in_dim3A_0 {strides = array<i32>} : memref<8x8x128xf32, #tpu.memory_space<vmem>>, vector<16xf32>,
      %swap3A_427 = arith.constant 3 : i32
      %swap3A_428 = arith.constant 0 : i32
      %swap3A_429 = arith.index_cast %swap3A_427 : i32 to index
      %swap3A_430 = arith.index_cast %swap3A_428 : i32 to index
      %swap3A_431 = arith.index_cast %multiple_of3A : i32 to index
      %swap3A_432 = tpu.vector_load %arg8[%swap3A_429, %swap3A_430, %swap3A_431] {strides = array<i32>} : memref<8x8x128xf32, #tpu.memory_space<vmem>>, vector<16xf32>,
      tpu.vector_store %arg8[%swap3A_429, %swap3A_430, %swap3A_431], %broadcast_in_dim3A_0 {strides = array<i32>} : memref<8x8x128xf32, #tpu.memory_space<vmem>>, vector<16xf32>,
      %swap3A_433 = arith.constant 3 : i32
      %swap3A_434 = arith.constant 1 : i32
      %swap3A_435 = arith.index_cast %swap3A_433 : i32 to index
      %swap3A_436 = arith.index_cast %swap3A_434 : i32 to index
      %swap3A_437 = arith.index_cast %multiple_of3A : i32 to index
      %swap3A_438 = tpu.vector_load %arg8[%swap3A_435, %swap3A_436, %swap3A_437] {strides = array<i32>} : memref<8x8x128xf32, #tpu.memory_space<vmem>>, vector<16xf32>,
      tpu.vector_store %arg8[%swap3A_435, %swap3A_436, %swap3A_437], %broadcast_in_dim3A_0 {strides = array<i32>} : memref<8x8x128xf32, #tpu.memory_space<vmem>>, vector<16xf32>,
      %swap3A_439 = arith.constant 3 : i32
      %swap3A_440 = arith.constant 2 : i32
      %swap3A_441 = arith.index_cast %swap3A_439 : i32 to index
      %swap3A_442 = arith.index_cast %swap3A_440 : i32 to index
      %swap3A_443 = arith.index_cast %multiple_of3A : i32 to index
      %swap3A_444 = tpu.vector_load %arg8[%swap3A_441, %swap3A_442, %swap3A_443] {strides = array<i32>} : memref<8x8x128xf32, #tpu.memory_space<vmem>>, vector<16xf32>,
      tpu.vector_store %arg8[%swap3A_441, %swap3A_442, %swap3A_443], %broadcast_in_dim3A_0 {strides = array<i32>} : memref<8x8x128xf32, #tpu.memory_space<vmem>>, vector<16xf32>,
      %swap3A_445 = arith.constant 3 : i32
      %swap3A_446 = arith.constant 3 : i32
      %swap3A_447 = arith.index_cast %swap3A_445 : i32 to index
      %swap3A_448 = arith.index_cast %swap3A_446 : i32 to index
      %swap3A_449 = arith.index_cast %multiple_of3A : i32 to index
      %swap3A_450 = tpu.vector_load %arg8[%swap3A_447, %swap3A_448, %swap3A_449] {strides = array<i32>} : memref<8x8x128xf32, #tpu.memory_space<vmem>>, vector<16xf32>,
      tpu.vector_store %arg8[%swap3A_447, %swap3A_448, %swap3A_449], %broadcast_in_dim3A_0 {strides = array<i32>} : memref<8x8x128xf32, #tpu.memory_space<vmem>>, vector<16xf32>,
      %swap3A_451 = arith.constant 3 : i32
      %swap3A_452 = arith.constant 4 : i32
      %swap3A_453 = arith.index_cast %swap3A_451 : i32 to index
      %swap3A_454 = arith.index_cast %swap3A_452 : i32 to index
      %swap3A_455 = arith.index_cast %multiple_of3A : i32 to index
      %swap3A_456 = tpu.vector_load %arg8[%swap3A_453, %swap3A_454, %swap3A_455] {strides = array<i32>} : memref<8x8x128xf32, #tpu.memory_space<vmem>>, vector<16xf32>,
      tpu.vector_store %arg8[%swap3A_453, %swap3A_454, %swap3A_455], %broadcast_in_dim3A_0 {strides = array<i32>} : memref<8x8x128xf32, #tpu.memory_space<vmem>>, vector<16xf32>,
      %swap3A_457 = arith.constant 3 : i32
      %swap3A_458 = arith.constant 5 : i32
      %swap3A_459 = arith.index_cast %swap3A_457 : i32 to index
      %swap3A_460 = arith.index_cast %swap3A_458 : i32 to index
      %swap3A_461 = arith.index_cast %multiple_of3A : i32 to index
      %swap3A_462 = tpu.vector_load %arg8[%swap3A_459, %swap3A_460, %swap3A_461] {strides = array<i32>} : memref<8x8x128xf32, #tpu.memory_space<vmem>>, vector<16xf32>,
      tpu.vector_store %arg8[%swap3A_459, %swap3A_460, %swap3A_461], %broadcast_in_dim3A_0 {strides = array<i32>} : memref<8x8x128xf32, #tpu.memory_space<vmem>>, vector<16xf32>,
      %swap3A_463 = arith.constant 3 : i32
      %swap3A_464 = arith.constant 6 : i32
      %swap3A_465 = arith.index_cast %swap3A_463 : i32 to index
      %swap3A_466 = arith.index_cast %swap3A_464 : i32 to index
      %swap3A_467 = arith.index_cast %multiple_of3A : i32 to index
      %swap3A_468 = tpu.vector_load %arg8[%swap3A_465, %swap3A_466, %swap3A_467] {strides = array<i32>} : memref<8x8x128xf32, #tpu.memory_space<vmem>>, vector<16xf32>,
      tpu.vector_store %arg8[%swap3A_465, %swap3A_466, %swap3A_467], %broadcast_in_dim3A_0 {strides = array<i32>} : memref<8x8x128xf32, #tpu.memory_space<vmem>>, vector<16xf32>,
      %swap3A_469 = arith.constant 3 : i32
      %swap3A_470 = arith.constant 7 : i32
      %swap3A_471 = arith.index_cast %swap3A_469 : i32 to index
      %swap3A_472 = arith.index_cast %swap3A_470 : i32 to index
      %swap3A_473 = arith.index_cast %multiple_of3A : i32 to index
      %swap3A_474 = tpu.vector_load %arg8[%swap3A_471, %swap3A_472, %swap3A_473] {strides = array<i32>} : memref<8x8x128xf32, #tpu.memory_space<vmem>>, vector<16xf32>,
      tpu.vector_store %arg8[%swap3A_471, %swap3A_472, %swap3A_473], %broadcast_in_dim3A_0 {strides = array<i32>} : memref<8x8x128xf32, #tpu.memory_space<vmem>>, vector<16xf32>,
      %swap3A_475 = arith.constant 4 : i32
      %swap3A_476 = arith.constant 0 : i32
      %swap3A_477 = arith.index_cast %swap3A_475 : i32 to index
      %swap3A_478 = arith.index_cast %swap3A_476 : i32 to index
      %swap3A_479 = arith.index_cast %multiple_of3A : i32 to index
      %swap3A_480 = tpu.vector_load %arg8[%swap3A_477, %swap3A_478, %swap3A_479] {strides = array<i32>} : memref<8x8x128xf32, #tpu.memory_space<vmem>>, vector<16xf32>,
      tpu.vector_store %arg8[%swap3A_477, %swap3A_478, %swap3A_479], %broadcast_in_dim3A_0 {strides = array<i32>} : memref<8x8x128xf32, #tpu.memory_space<vmem>>, vector<16xf32>,
      %swap3A_481 = arith.constant 4 : i32
      %swap3A_482 = arith.constant 1 : i32
      %swap3A_483 = arith.index_cast %swap3A_481 : i32 to index
      %swap3A_484 = arith.index_cast %swap3A_482 : i32 to index
      %swap3A_485 = arith.index_cast %multiple_of3A : i32 to index
      %swap3A_486 = tpu.vector_load %arg8[%swap3A_483, %swap3A_484, %swap3A_485] {strides = array<i32>} : memref<8x8x128xf32, #tpu.memory_space<vmem>>, vector<16xf32>,
      tpu.vector_store %arg8[%swap3A_483, %swap3A_484, %swap3A_485], %broadcast_in_dim3A_0 {strides = array<i32>} : memref<8x8x128xf32, #tpu.memory_space<vmem>>, vector<16xf32>,
      %swap3A_487 = arith.constant 4 : i32
      %swap3A_488 = arith.constant 2 : i32
      %swap3A_489 = arith.index_cast %swap3A_487 : i32 to index
      %swap3A_490 = arith.index_cast %swap3A_488 : i32 to index
      %swap3A_491 = arith.index_cast %multiple_of3A : i32 to index
      %swap3A_492 = tpu.vector_load %arg8[%swap3A_489, %swap3A_490, %swap3A_491] {strides = array<i32>} : memref<8x8x128xf32, #tpu.memory_space<vmem>>, vector<16xf32>,
      tpu.vector_store %arg8[%swap3A_489, %swap3A_490, %swap3A_491], %broadcast_in_dim3A_0 {strides = array<i32>} : memref<8x8x128xf32, #tpu.memory_space<vmem>>, vector<16xf32>,
      %swap3A_493 = arith.constant 4 : i32
      %swap3A_494 = arith.constant 3 : i32
      %swap3A_495 = arith.index_cast %swap3A_493 : i32 to index
      %swap3A_496 = arith.index_cast %swap3A_494 : i32 to index
      %swap3A_497 = arith.index_cast %multiple_of3A : i32 to index
      %swap3A_498 = tpu.vector_load %arg8[%swap3A_495, %swap3A_496, %swap3A_497] {strides = array<i32>} : memref<8x8x128xf32, #tpu.memory_space<vmem>>, vector<16xf32>,
      tpu.vector_store %arg8[%swap3A_495, %swap3A_496, %swap3A_497], %broadcast_in_dim3A_0 {strides = array<i32>} : memref<8x8x128xf32, #tpu.memory_space<vmem>>, vector<16xf32>,
      %swap3A_499 = arith.constant 4 : i32
      %swap3A_500 = arith.constant 4 : i32
      %swap3A_501 = arith.index_cast %swap3A_499 : i32 to index
      %swap3A_502 = arith.index_cast %swap3A_500 : i32 to index
      %swap3A_503 = arith.index_cast %multiple_of3A : i32 to index
      %swap3A_504 = tpu.vector_load %arg8[%swap3A_501, %swap3A_502, %swap3A_503] {strides = array<i32>} : memref<8x8x128xf32, #tpu.memory_space<vmem>>, vector<16xf32>,
      tpu.vector_store %arg8[%swap3A_501, %swap3A_502, %swap3A_503], %broadcast_in_dim3A_0 {strides = array<i32>} : memref<8x8x128xf32, #tpu.memory_space<vmem>>, vector<16xf32>,
      %swap3A_505 = arith.constant 4 : i32
      %swap3A_506 = arith.constant 5 : i32
      %swap3A_507 = arith.index_cast %swap3A_505 : i32 to index
      %swap3A_508 = arith.index_cast %swap3A_506 : i32 to index
      %swap3A_509 = arith.index_cast %multiple_of3A : i32 to index
      %swap3A_510 = tpu.vector_load %arg8[%swap3A_507, %swap3A_508, %swap3A_509] {strides = array<i32>} : memref<8x8x128xf32, #tpu.memory_space<vmem>>, vector<16xf32>,
      tpu.vector_store %arg8[%swap3A_507, %swap3A_508, %swap3A_509], %broadcast_in_dim3A_0 {strides = array<i32>} : memref<8x8x128xf32, #tpu.memory_space<vmem>>, vector<16xf32>,
      %swap3A_511 = arith.constant 4 : i32
      %swap3A_512 = arith.constant 6 : i32
      %swap3A_513 = arith.index_cast %swap3A_511 : i32 to index
      %swap3A_514 = arith.index_cast %swap3A_512 : i32 to index
      %swap3A_515 = arith.index_cast %multiple_of3A : i32 to index
      %swap3A_516 = tpu.vector_load %arg8[%swap3A_513, %swap3A_514, %swap3A_515] {strides = array<i32>} : memref<8x8x128xf32, #tpu.memory_space<vmem>>, vector<16xf32>,
      tpu.vector_store %arg8[%swap3A_513, %swap3A_514, %swap3A_515], %broadcast_in_dim3A_0 {strides = array<i32>} : memref<8x8x128xf32, #tpu.memory_space<vmem>>, vector<16xf32>,
      %swap3A_517 = arith.constant 4 : i32
      %swap3A_518 = arith.constant 7 : i32
      %swap3A_519 = arith.index_cast %swap3A_517 : i32 to index
      %swap3A_520 = arith.index_cast %swap3A_518 : i32 to index
      %swap3A_521 = arith.index_cast %multiple_of3A : i32 to index
      %swap3A_522 = tpu.vector_load %arg8[%swap3A_519, %swap3A_520, %swap3A_521] {strides = array<i32>} : memref<8x8x128xf32, #tpu.memory_space<vmem>>, vector<16xf32>,
      tpu.vector_store %arg8[%swap3A_519, %swap3A_520, %swap3A_521], %broadcast_in_dim3A_0 {strides = array<i32>} : memref<8x8x128xf32, #tpu.memory_space<vmem>>, vector<16xf32>,
      %swap3A_523 = arith.constant 5 : i32
      %swap3A_524 = arith.constant 0 : i32
      %swap3A_525 = arith.index_cast %swap3A_523 : i32 to index
      %swap3A_526 = arith.index_cast %swap3A_524 : i32 to index
      %swap3A_527 = arith.index_cast %multiple_of3A : i32 to index
      %swap3A_528 = tpu.vector_load %arg8[%swap3A_525, %swap3A_526, %swap3A_527] {strides = array<i32>} : memref<8x8x128xf32, #tpu.memory_space<vmem>>, vector<16xf32>,
      tpu.vector_store %arg8[%swap3A_525, %swap3A_526, %swap3A_527], %broadcast_in_dim3A_0 {strides = array<i32>} : memref<8x8x128xf32, #tpu.memory_space<vmem>>, vector<16xf32>,
      %swap3A_529 = arith.constant 5 : i32
      %swap3A_530 = arith.constant 1 : i32
      %swap3A_531 = arith.index_cast %swap3A_529 : i32 to index
      %swap3A_532 = arith.index_cast %swap3A_530 : i32 to index
      %swap3A_533 = arith.index_cast %multiple_of3A : i32 to index
      %swap3A_534 = tpu.vector_load %arg8[%swap3A_531, %swap3A_532, %swap3A_533] {strides = array<i32>} : memref<8x8x128xf32, #tpu.memory_space<vmem>>, vector<16xf32>,
      tpu.vector_store %arg8[%swap3A_531, %swap3A_532, %swap3A_533], %broadcast_in_dim3A_0 {strides = array<i32>} : memref<8x8x128xf32, #tpu.memory_space<vmem>>, vector<16xf32>,
      %swap3A_535 = arith.constant 5 : i32
      %swap3A_536 = arith.constant 2 : i32
      %swap3A_537 = arith.index_cast %swap3A_535 : i32 to index
      %swap3A_538 = arith.index_cast %swap3A_536 : i32 to index
      %swap3A_539 = arith.index_cast %multiple_of3A : i32 to index
      %swap3A_540 = tpu.vector_load %arg8[%swap3A_537, %swap3A_538, %swap3A_539] {strides = array<i32>} : memref<8x8x128xf32, #tpu.memory_space<vmem>>, vector<16xf32>,
      tpu.vector_store %arg8[%swap3A_537, %swap3A_538, %swap3A_539], %broadcast_in_dim3A_0 {strides = array<i32>} : memref<8x8x128xf32, #tpu.memory_space<vmem>>, vector<16xf32>,
      %swap3A_541 = arith.constant 5 : i32
      %swap3A_542 = arith.constant 3 : i32
      %swap3A_543 = arith.index_cast %swap3A_541 : i32 to index
      %swap3A_544 = arith.index_cast %swap3A_542 : i32 to index
      %swap3A_545 = arith.index_cast %multiple_of3A : i32 to index
      %swap3A_546 = tpu.vector_load %arg8[%swap3A_543, %swap3A_544, %swap3A_545] {strides = array<i32>} : memref<8x8x128xf32, #tpu.memory_space<vmem>>, vector<16xf32>,
      tpu.vector_store %arg8[%swap3A_543, %swap3A_544, %swap3A_545], %broadcast_in_dim3A_0 {strides = array<i32>} : memref<8x8x128xf32, #tpu.memory_space<vmem>>, vector<16xf32>,
      %swap3A_547 = arith.constant 5 : i32
      %swap3A_548 = arith.constant 4 : i32
      %swap3A_549 = arith.index_cast %swap3A_547 : i32 to index
      %swap3A_550 = arith.index_cast %swap3A_548 : i32 to index
      %swap3A_551 = arith.index_cast %multiple_of3A : i32 to index
      %swap3A_552 = tpu.vector_load %arg8[%swap3A_549, %swap3A_550, %swap3A_551] {strides = array<i32>} : memref<8x8x128xf32, #tpu.memory_space<vmem>>, vector<16xf32>,
      tpu.vector_store %arg8[%swap3A_549, %swap3A_550, %swap3A_551], %broadcast_in_dim3A_0 {strides = array<i32>} : memref<8x8x128xf32, #tpu.memory_space<vmem>>, vector<16xf32>,
      %swap3A_553 = arith.constant 5 : i32
      %swap3A_554 = arith.constant 5 : i32
      %swap3A_555 = arith.index_cast %swap3A_553 : i32 to index
      %swap3A_556 = arith.index_cast %swap3A_554 : i32 to index
      %swap3A_557 = arith.index_cast %multiple_of3A : i32 to index
      %swap3A_558 = tpu.vector_load %arg8[%swap3A_555, %swap3A_556, %swap3A_557] {strides = array<i32>} : memref<8x8x128xf32, #tpu.memory_space<vmem>>, vector<16xf32>,
      tpu.vector_store %arg8[%swap3A_555, %swap3A_556, %swap3A_557], %broadcast_in_dim3A_0 {strides = array<i32>} : memref<8x8x128xf32, #tpu.memory_space<vmem>>, vector<16xf32>,
      %swap3A_559 = arith.constant 5 : i32
      %swap3A_560 = arith.constant 6 : i32
      %swap3A_561 = arith.index_cast %swap3A_559 : i32 to index
      %swap3A_562 = arith.index_cast %swap3A_560 : i32 to index
      %swap3A_563 = arith.index_cast %multiple_of3A : i32 to index
      %swap3A_564 = tpu.vector_load %arg8[%swap3A_561, %swap3A_562, %swap3A_563] {strides = array<i32>} : memref<8x8x128xf32, #tpu.memory_space<vmem>>, vector<16xf32>,
      tpu.vector_store %arg8[%swap3A_561, %swap3A_562, %swap3A_563], %broadcast_in_dim3A_0 {strides = array<i32>} : memref<8x8x128xf32, #tpu.memory_space<vmem>>, vector<16xf32>,
      %swap3A_565 = arith.constant 5 : i32
      %swap3A_566 = arith.constant 7 : i32
      %swap3A_567 = arith.index_cast %swap3A_565 : i32 to index
      %swap3A_568 = arith.index_cast %swap3A_566 : i32 to index
      %swap3A_569 = arith.index_cast %multiple_of3A : i32 to index
      %swap3A_570 = tpu.vector_load %arg8[%swap3A_567, %swap3A_568, %swap3A_569] {strides = array<i32>} : memref<8x8x128xf32, #tpu.memory_space<vmem>>, vector<16xf32>,
      tpu.vector_store %arg8[%swap3A_567, %swap3A_568, %swap3A_569], %broadcast_in_dim3A_0 {strides = array<i32>} : memref<8x8x128xf32, #tpu.memory_space<vmem>>, vector<16xf32>,
      %swap3A_571 = arith.constant 6 : i32
      %swap3A_572 = arith.constant 0 : i32
      %swap3A_573 = arith.index_cast %swap3A_571 : i32 to index
      %swap3A_574 = arith.index_cast %swap3A_572 : i32 to index
      %swap3A_575 = arith.index_cast %multiple_of3A : i32 to index
      %swap3A_576 = tpu.vector_load %arg8[%swap3A_573, %swap3A_574, %swap3A_575] {strides = array<i32>} : memref<8x8x128xf32, #tpu.memory_space<vmem>>, vector<16xf32>,
      tpu.vector_store %arg8[%swap3A_573, %swap3A_574, %swap3A_575], %broadcast_in_dim3A_0 {strides = array<i32>} : memref<8x8x128xf32, #tpu.memory_space<vmem>>, vector<16xf32>,
      %swap3A_577 = arith.constant 6 : i32
      %swap3A_578 = arith.constant 1 : i32
      %swap3A_579 = arith.index_cast %swap3A_577 : i32 to index
      %swap3A_580 = arith.index_cast %swap3A_578 : i32 to index
      %swap3A_581 = arith.index_cast %multiple_of3A : i32 to index
      %swap3A_582 = tpu.vector_load %arg8[%swap3A_579, %swap3A_580, %swap3A_581] {strides = array<i32>} : memref<8x8x128xf32, #tpu.memory_space<vmem>>, vector<16xf32>,
      tpu.vector_store %arg8[%swap3A_579, %swap3A_580, %swap3A_581], %broadcast_in_dim3A_0 {strides = array<i32>} : memref<8x8x128xf32, #tpu.memory_space<vmem>>, vector<16xf32>,
      %swap3A_583 = arith.constant 6 : i32
      %swap3A_584 = arith.constant 2 : i32
      %swap3A_585 = arith.index_cast %swap3A_583 : i32 to index
      %swap3A_586 = arith.index_cast %swap3A_584 : i32 to index
      %swap3A_587 = arith.index_cast %multiple_of3A : i32 to index
      %swap3A_588 = tpu.vector_load %arg8[%swap3A_585, %swap3A_586, %swap3A_587] {strides = array<i32>} : memref<8x8x128xf32, #tpu.memory_space<vmem>>, vector<16xf32>,
      tpu.vector_store %arg8[%swap3A_585, %swap3A_586, %swap3A_587], %broadcast_in_dim3A_0 {strides = array<i32>} : memref<8x8x128xf32, #tpu.memory_space<vmem>>, vector<16xf32>,
      %swap3A_589 = arith.constant 6 : i32
      %swap3A_590 = arith.constant 3 : i32
      %swap3A_591 = arith.index_cast %swap3A_589 : i32 to index
      %swap3A_592 = arith.index_cast %swap3A_590 : i32 to index
      %swap3A_593 = arith.index_cast %multiple_of3A : i32 to index
      %swap3A_594 = tpu.vector_load %arg8[%swap3A_591, %swap3A_592, %swap3A_593] {strides = array<i32>} : memref<8x8x128xf32, #tpu.memory_space<vmem>>, vector<16xf32>,
      tpu.vector_store %arg8[%swap3A_591, %swap3A_592, %swap3A_593], %broadcast_in_dim3A_0 {strides = array<i32>} : memref<8x8x128xf32, #tpu.memory_space<vmem>>, vector<16xf32>,
      %swap3A_595 = arith.constant 6 : i32
      %swap3A_596 = arith.constant 4 : i32
      %swap3A_597 = arith.index_cast %swap3A_595 : i32 to index
      %swap3A_598 = arith.index_cast %swap3A_596 : i32 to index
      %swap3A_599 = arith.index_cast %multiple_of3A : i32 to index
      %swap3A_600 = tpu.vector_load %arg8[%swap3A_597, %swap3A_598, %swap3A_599] {strides = array<i32>} : memref<8x8x128xf32, #tpu.memory_space<vmem>>, vector<16xf32>,
      tpu.vector_store %arg8[%swap3A_597, %swap3A_598, %swap3A_599], %broadcast_in_dim3A_0 {strides = array<i32>} : memref<8x8x128xf32, #tpu.memory_space<vmem>>, vector<16xf32>,
      %swap3A_601 = arith.constant 6 : i32
      %swap3A_602 = arith.constant 5 : i32
      %swap3A_603 = arith.index_cast %swap3A_601 : i32 to index
      %swap3A_604 = arith.index_cast %swap3A_602 : i32 to index
      %swap3A_605 = arith.index_cast %multiple_of3A : i32 to index
      %swap3A_606 = tpu.vector_load %arg8[%swap3A_603, %swap3A_604, %swap3A_605] {strides = array<i32>} : memref<8x8x128xf32, #tpu.memory_space<vmem>>, vector<16xf32>,
      tpu.vector_store %arg8[%swap3A_603, %swap3A_604, %swap3A_605], %broadcast_in_dim3A_0 {strides = array<i32>} : memref<8x8x128xf32, #tpu.memory_space<vmem>>, vector<16xf32>,
      %swap3A_607 = arith.constant 6 : i32
      %swap3A_608 = arith.constant 6 : i32
      %swap3A_609 = arith.index_cast %swap3A_607 : i32 to index
      %swap3A_610 = arith.index_cast %swap3A_608 : i32 to index
      %swap3A_611 = arith.index_cast %multiple_of3A : i32 to index
      %swap3A_612 = tpu.vector_load %arg8[%swap3A_609, %swap3A_610, %swap3A_611] {strides = array<i32>} : memref<8x8x128xf32, #tpu.memory_space<vmem>>, vector<16xf32>,
      tpu.vector_store %arg8[%swap3A_609, %swap3A_610, %swap3A_611], %broadcast_in_dim3A_0 {strides = array<i32>} : memref<8x8x128xf32, #tpu.memory_space<vmem>>, vector<16xf32>,
      %swap3A_613 = arith.constant 6 : i32
      %swap3A_614 = arith.constant 7 : i32
      %swap3A_615 = arith.index_cast %swap3A_613 : i32 to index
      %swap3A_616 = arith.index_cast %swap3A_614 : i32 to index
      %swap3A_617 = arith.index_cast %multiple_of3A : i32 to index
      %swap3A_618 = tpu.vector_load %arg8[%swap3A_615, %swap3A_616, %swap3A_617] {strides = array<i32>} : memref<8x8x128xf32, #tpu.memory_space<vmem>>, vector<16xf32>,
      tpu.vector_store %arg8[%swap3A_615, %swap3A_616, %swap3A_617], %broadcast_in_dim3A_0 {strides = array<i32>} : memref<8x8x128xf32, #tpu.memory_space<vmem>>, vector<16xf32>,
      %swap3A_619 = arith.constant 7 : i32
      %swap3A_620 = arith.constant 0 : i32
      %swap3A_621 = arith.index_cast %swap3A_619 : i32 to index
      %swap3A_622 = arith.index_cast %swap3A_620 : i32 to index
      %swap3A_623 = arith.index_cast %multiple_of3A : i32 to index
      %swap3A_624 = tpu.vector_load %arg8[%swap3A_621, %swap3A_622, %swap3A_623] {strides = array<i32>} : memref<8x8x128xf32, #tpu.memory_space<vmem>>, vector<16xf32>,
      tpu.vector_store %arg8[%swap3A_621, %swap3A_622, %swap3A_623], %broadcast_in_dim3A_0 {strides = array<i32>} : memref<8x8x128xf32, #tpu.memory_space<vmem>>, vector<16xf32>,
      %swap3A_625 = arith.constant 7 : i32
      %swap3A_626 = arith.constant 1 : i32
      %swap3A_627 = arith.index_cast %swap3A_625 : i32 to index
      %swap3A_628 = arith.index_cast %swap3A_626 : i32 to index
      %swap3A_629 = arith.index_cast %multiple_of3A : i32 to index
      %swap3A_630 = tpu.vector_load %arg8[%swap3A_627, %swap3A_628, %swap3A_629] {strides = array<i32>} : memref<8x8x128xf32, #tpu.memory_space<vmem>>, vector<16xf32>,
      tpu.vector_store %arg8[%swap3A_627, %swap3A_628, %swap3A_629], %broadcast_in_dim3A_0 {strides = array<i32>} : memref<8x8x128xf32, #tpu.memory_space<vmem>>, vector<16xf32>,
      %swap3A_631 = arith.constant 7 : i32
      %swap3A_632 = arith.constant 2 : i32
      %swap3A_633 = arith.index_cast %swap3A_631 : i32 to index
      %swap3A_634 = arith.index_cast %swap3A_632 : i32 to index
      %swap3A_635 = arith.index_cast %multiple_of3A : i32 to index
      %swap3A_636 = tpu.vector_load %arg8[%swap3A_633, %swap3A_634, %swap3A_635] {strides = array<i32>} : memref<8x8x128xf32, #tpu.memory_space<vmem>>, vector<16xf32>,
      tpu.vector_store %arg8[%swap3A_633, %swap3A_634, %swap3A_635], %broadcast_in_dim3A_0 {strides = array<i32>} : memref<8x8x128xf32, #tpu.memory_space<vmem>>, vector<16xf32>,
      %swap3A_637 = arith.constant 7 : i32
      %swap3A_638 = arith.constant 3 : i32
      %swap3A_639 = arith.index_cast %swap3A_637 : i32 to index
      %swap3A_640 = arith.index_cast %swap3A_638 : i32 to index
      %swap3A_641 = arith.index_cast %multiple_of3A : i32 to index
      %swap3A_642 = tpu.vector_load %arg8[%swap3A_639, %swap3A_640, %swap3A_641] {strides = array<i32>} : memref<8x8x128xf32, #tpu.memory_space<vmem>>, vector<16xf32>,
      tpu.vector_store %arg8[%swap3A_639, %swap3A_640, %swap3A_641], %broadcast_in_dim3A_0 {strides = array<i32>} : memref<8x8x128xf32, #tpu.memory_space<vmem>>, vector<16xf32>,
      %swap3A_643 = arith.constant 7 : i32
      %swap3A_644 = arith.constant 4 : i32
      %swap3A_645 = arith.index_cast %swap3A_643 : i32 to index
      %swap3A_646 = arith.index_cast %swap3A_644 : i32 to index
      %swap3A_647 = arith.index_cast %multiple_of3A : i32 to index
      %swap3A_648 = tpu.vector_load %arg8[%swap3A_645, %swap3A_646, %swap3A_647] {strides = array<i32>} : memref<8x8x128xf32, #tpu.memory_space<vmem>>, vector<16xf32>,
      tpu.vector_store %arg8[%swap3A_645, %swap3A_646, %swap3A_647], %broadcast_in_dim3A_0 {strides = array<i32>} : memref<8x8x128xf32, #tpu.memory_space<vmem>>, vector<16xf32>,
      %swap3A_649 = arith.constant 7 : i32
      %swap3A_650 = arith.constant 5 : i32
      %swap3A_651 = arith.index_cast %swap3A_649 : i32 to index
      %swap3A_652 = arith.index_cast %swap3A_650 : i32 to index
      %swap3A_653 = arith.index_cast %multiple_of3A : i32 to index
      %swap3A_654 = tpu.vector_load %arg8[%swap3A_651, %swap3A_652, %swap3A_653] {strides = array<i32>} : memref<8x8x128xf32, #tpu.memory_space<vmem>>, vector<16xf32>,
      tpu.vector_store %arg8[%swap3A_651, %swap3A_652, %swap3A_653], %broadcast_in_dim3A_0 {strides = array<i32>} : memref<8x8x128xf32, #tpu.memory_space<vmem>>, vector<16xf32>,
      %swap3A_655 = arith.constant 7 : i32
      %swap3A_656 = arith.constant 6 : i32
      %swap3A_657 = arith.index_cast %swap3A_655 : i32 to index
      %swap3A_658 = arith.index_cast %swap3A_656 : i32 to index
      %swap3A_659 = arith.index_cast %multiple_of3A : i32 to index
      %swap3A_660 = tpu.vector_load %arg8[%swap3A_657, %swap3A_658, %swap3A_659] {strides = array<i32>} : memref<8x8x128xf32, #tpu.memory_space<vmem>>, vector<16xf32>,
      tpu.vector_store %arg8[%swap3A_657, %swap3A_658, %swap3A_659], %broadcast_in_dim3A_0 {strides = array<i32>} : memref<8x8x128xf32, #tpu.memory_space<vmem>>, vector<16xf32>,
      %swap3A_661 = arith.constant 7 : i32
      %swap3A_662 = arith.constant 7 : i32
      %swap3A_663 = arith.index_cast %swap3A_661 : i32 to index
      %swap3A_664 = arith.index_cast %swap3A_662 : i32 to index
      %swap3A_665 = arith.index_cast %multiple_of3A : i32 to index
      %swap3A_666 = tpu.vector_load %arg8[%swap3A_663, %swap3A_664, %swap3A_665] {strides = array<i32>} : memref<8x8x128xf32, #tpu.memory_space<vmem>>, vector<16xf32>,
      tpu.vector_store %arg8[%swap3A_663, %swap3A_664, %swap3A_665], %broadcast_in_dim3A_0 {strides = array<i32>} : memref<8x8x128xf32, #tpu.memory_space<vmem>>, vector<16xf32>,
      %scan3A_667 = arith.constant 0 : i32
      scf.yield %scan3A_667 : i32
    }
    %scan3A_6 = arith.constant 8 : i32
    %mul3A = arith.constant 16 : i32
    %mul3A_7 = arith.muli %arg0, %mul3A : i32
    %add3A = arith.addi %mul3A_7, %arg1 : i32
    %mul3A_8 = arith.constant 128 : i32
    %mul3A_9 = arith.muli %add3A, %mul3A_8 : i32
    %mul3A_10 = arith.constant 32 : i32
    %mul3A_11 = arith.muli %arg1, %mul3A_10 : i32
    %add3A_12 = arith.constant 0 : i32
    %add3A_13 = arith.addi %mul3A_9, %add3A_12 : i32
    %run_scoped3A = arith.constant 0 : i32
    "tpu.region"() ({
      %run_scoped3A_280 = tpu.sem_alloc : memref<!tpu.dma_semaphore, #tpu.memory_space<semaphore_mem>>
      %dma_start3A_281 = arith.constant 0 : i32
      %dma_start3A_282 = tpu.memref_slice %arg9[%run_scoped3A, %dma_start3A_281] : memref<4x32xi32, #tpu.memory_space<vmem>> -> memref<1x32xi32, #tpu.memory_space<vmem>>
      %dma_start3A_283 = tpu.memref_squeeze %dma_start3A_282 : memref<1x32xi32, #tpu.memory_space<vmem>> -> memref<32xi32, #tpu.memory_space<vmem>>
      %dma_start3A_284 = tpu.memref_slice %arg3[%add3A_13] : memref<4096xi32, #tpu.memory_space<hbm>> -> memref<32xi32, #tpu.memory_space<hbm>>
      %dma_start3A_285 = arith.constant 0 : i32
      %dma_start3A_286 = tpu.memref_slice %arg9[%run_scoped3A, %dma_start3A_285] : memref<4x32xi32, #tpu.memory_space<vmem>> -> memref<1x32xi32, #tpu.memory_space<vmem>>
      %dma_start3A_287 = tpu.memref_squeeze %dma_start3A_286 : memref<1x32xi32, #tpu.memory_space<vmem>> -> memref<32xi32, #tpu.memory_space<vmem>>
      %dma_start3A_288 = tpu.memref_slice %arg3[%add3A_13] : memref<4096xi32, #tpu.memory_space<hbm>> -> memref<32xi32, #tpu.memory_space<hbm>>
      tpu.enqueue_dma source(%dma_start3A_288 : memref<32xi32, #tpu.memory_space<hbm>>) target(%dma_start3A_287 : memref<32xi32, #tpu.memory_space<vmem>>) target_semaphore(%run_scoped3A_280 : memref<!tpu.dma_semaphore, #tpu.memory_space<semaphore_mem>>)
      %dma_wait3A_289 = arith.constant 0 : i32
      %dma_wait3A_290 = tpu.memref_slice %arg9[%run_scoped3A, %dma_wait3A_289] : memref<4x32xi32, #tpu.memory_space<vmem>> -> memref<1x32xi32, #tpu.memory_space<vmem>>
      %dma_wait3A_291 = tpu.memref_squeeze %dma_wait3A_290 : memref<1x32xi32, #tpu.memory_space<vmem>> -> memref<32xi32, #tpu.memory_space<vmem>>
      %dma_wait3A_292 = tpu.memref_slice %arg3[%add3A_13] : memref<4096xi32, #tpu.memory_space<hbm>> -> memref<32xi32, #tpu.memory_space<hbm>>
      %dma_wait3A_293 = arith.constant 0 : i32
      %dma_wait3A_294 = tpu.memref_slice %arg9[%run_scoped3A, %dma_wait3A_293] : memref<4x32xi32, #tpu.memory_space<vmem>> -> memref<1x32xi32, #tpu.memory_space<vmem>>
      %dma_wait3A_295 = tpu.memref_squeeze %dma_wait3A_294 : memref<1x32xi32, #tpu.memory_space<vmem>> -> memref<32xi32, #tpu.memory_space<vmem>>
      %dma_wait3A_296 = tpu.memref_slice %arg3[%add3A_13] : memref<4096xi32, #tpu.memory_space<hbm>> -> memref<32xi32, #tpu.memory_space<hbm>>
      tpu.wait_dma2 semaphore(%run_scoped3A_280 : memref<!tpu.dma_semaphore, #tpu.memory_space<semaphore_mem>>) src(%dma_wait3A_296 : memref<32xi32, #tpu.memory_space<hbm>>) dst(%dma_wait3A_295 : memref<32xi32, #tpu.memory_space<vmem>>)
      tpu.yield
    }) : () -> ()
    %add3A_14 = arith.constant 32 : i32
    %add3A_15 = arith.addi %mul3A_9, %add3A_14 : i32
    %run_scoped3A_16 = arith.constant 1 : i32
    "tpu.region"() ({
      %run_scoped3A_280 = tpu.sem_alloc : memref<!tpu.dma_semaphore, #tpu.memory_space<semaphore_mem>>
      %dma_start3A_281 = arith.constant 0 : i32
      %dma_start3A_282 = tpu.memref_slice %arg9[%run_scoped3A_16, %dma_start3A_281] : memref<4x32xi32, #tpu.memory_space<vmem>> -> memref<1x32xi32, #tpu.memory_space<vmem>>
      %dma_start3A_283 = tpu.memref_squeeze %dma_start3A_282 : memref<1x32xi32, #tpu.memory_space<vmem>> -> memref<32xi32, #tpu.memory_space<vmem>>
      %dma_start3A_284 = tpu.memref_slice %arg3[%add3A_15] : memref<4096xi32, #tpu.memory_space<hbm>> -> memref<32xi32, #tpu.memory_space<hbm>>
      %dma_start3A_285 = arith.constant 0 : i32
      %dma_start3A_286 = tpu.memref_slice %arg9[%run_scoped3A_16, %dma_start3A_285] : memref<4x32xi32, #tpu.memory_space<vmem>> -> memref<1x32xi32, #tpu.memory_space<vmem>>
      %dma_start3A_287 = tpu.memref_squeeze %dma_start3A_286 : memref<1x32xi32, #tpu.memory_space<vmem>> -> memref<32xi32, #tpu.memory_space<vmem>>
      %dma_start3A_288 = tpu.memref_slice %arg3[%add3A_15] : memref<4096xi32, #tpu.memory_space<hbm>> -> memref<32xi32, #tpu.memory_space<hbm>>
      tpu.enqueue_dma source(%dma_start3A_288 : memref<32xi32, #tpu.memory_space<hbm>>) target(%dma_start3A_287 : memref<32xi32, #tpu.memory_space<vmem>>) target_semaphore(%run_scoped3A_280 : memref<!tpu.dma_semaphore, #tpu.memory_space<semaphore_mem>>)
      %dma_wait3A_289 = arith.constant 0 : i32
      %dma_wait3A_290 = tpu.memref_slice %arg9[%run_scoped3A_16, %dma_wait3A_289] : memref<4x32xi32, #tpu.memory_space<vmem>> -> memref<1x32xi32, #tpu.memory_space<vmem>>
      %dma_wait3A_291 = tpu.memref_squeeze %dma_wait3A_290 : memref<1x32xi32, #tpu.memory_space<vmem>> -> memref<32xi32, #tpu.memory_space<vmem>>
      %dma_wait3A_292 = tpu.memref_slice %arg3[%add3A_15] : memref<4096xi32, #tpu.memory_space<hbm>> -> memref<32xi32, #tpu.memory_space<hbm>>
      %dma_wait3A_293 = arith.constant 0 : i32
      %dma_wait3A_294 = tpu.memref_slice %arg9[%run_scoped3A_16, %dma_wait3A_293] : memref<4x32xi32, #tpu.memory_space<vmem>> -> memref<1x32xi32, #tpu.memory_space<vmem>>
      %dma_wait3A_295 = tpu.memref_squeeze %dma_wait3A_294 : memref<1x32xi32, #tpu.memory_space<vmem>> -> memref<32xi32, #tpu.memory_space<vmem>>
      %dma_wait3A_296 = tpu.memref_slice %arg3[%add3A_15] : memref<4096xi32, #tpu.memory_space<hbm>> -> memref<32xi32, #tpu.memory_space<hbm>>
      tpu.wait_dma2 semaphore(%run_scoped3A_280 : memref<!tpu.dma_semaphore, #tpu.memory_space<semaphore_mem>>) src(%dma_wait3A_296 : memref<32xi32, #tpu.memory_space<hbm>>) dst(%dma_wait3A_295 : memref<32xi32, #tpu.memory_space<vmem>>)
      tpu.yield
    }) : () -> ()
    %add3A_17 = arith.constant 64 : i32
    %add3A_18 = arith.addi %mul3A_9, %add3A_17 : i32
    %run_scoped3A_19 = arith.constant 2 : i32
    "tpu.region"() ({
      %run_scoped3A_280 = tpu.sem_alloc : memref<!tpu.dma_semaphore, #tpu.memory_space<semaphore_mem>>
      %dma_start3A_281 = arith.constant 0 : i32
      %dma_start3A_282 = tpu.memref_slice %arg9[%run_scoped3A_19, %dma_start3A_281] : memref<4x32xi32, #tpu.memory_space<vmem>> -> memref<1x32xi32, #tpu.memory_space<vmem>>
      %dma_start3A_283 = tpu.memref_squeeze %dma_start3A_282 : memref<1x32xi32, #tpu.memory_space<vmem>> -> memref<32xi32, #tpu.memory_space<vmem>>
      %dma_start3A_284 = tpu.memref_slice %arg3[%add3A_18] : memref<4096xi32, #tpu.memory_space<hbm>> -> memref<32xi32, #tpu.memory_space<hbm>>
      %dma_start3A_285 = arith.constant 0 : i32
      %dma_start3A_286 = tpu.memref_slice %arg9[%run_scoped3A_19, %dma_start3A_285] : memref<4x32xi32, #tpu.memory_space<vmem>> -> memref<1x32xi32, #tpu.memory_space<vmem>>
      %dma_start3A_287 = tpu.memref_squeeze %dma_start3A_286 : memref<1x32xi32, #tpu.memory_space<vmem>> -> memref<32xi32, #tpu.memory_space<vmem>>
      %dma_start3A_288 = tpu.memref_slice %arg3[%add3A_18] : memref<4096xi32, #tpu.memory_space<hbm>> -> memref<32xi32, #tpu.memory_space<hbm>>
      tpu.enqueue_dma source(%dma_start3A_288 : memref<32xi32, #tpu.memory_space<hbm>>) target(%dma_start3A_287 : memref<32xi32, #tpu.memory_space<vmem>>) target_semaphore(%run_scoped3A_280 : memref<!tpu.dma_semaphore, #tpu.memory_space<semaphore_mem>>)
      %dma_wait3A_289 = arith.constant 0 : i32
      %dma_wait3A_290 = tpu.memref_slice %arg9[%run_scoped3A_19, %dma_wait3A_289] : memref<4x32xi32, #tpu.memory_space<vmem>> -> memref<1x32xi32, #tpu.memory_space<vmem>>
      %dma_wait3A_291 = tpu.memref_squeeze %dma_wait3A_290 : memref<1x32xi32, #tpu.memory_space<vmem>> -> memref<32xi32, #tpu.memory_space<vmem>>
      %dma_wait3A_292 = tpu.memref_slice %arg3[%add3A_18] : memref<4096xi32, #tpu.memory_space<hbm>> -> memref<32xi32, #tpu.memory_space<hbm>>
      %dma_wait3A_293 = arith.constant 0 : i32
      %dma_wait3A_294 = tpu.memref_slice %arg9[%run_scoped3A_19, %dma_wait3A_293] : memref<4x32xi32, #tpu.memory_space<vmem>> -> memref<1x32xi32, #tpu.memory_space<vmem>>
      %dma_wait3A_295 = tpu.memref_squeeze %dma_wait3A_294 : memref<1x32xi32, #tpu.memory_space<vmem>> -> memref<32xi32, #tpu.memory_space<vmem>>
      %dma_wait3A_296 = tpu.memref_slice %arg3[%add3A_18] : memref<4096xi32, #tpu.memory_space<hbm>> -> memref<32xi32, #tpu.memory_space<hbm>>
      tpu.wait_dma2 semaphore(%run_scoped3A_280 : memref<!tpu.dma_semaphore, #tpu.memory_space<semaphore_mem>>) src(%dma_wait3A_296 : memref<32xi32, #tpu.memory_space<hbm>>) dst(%dma_wait3A_295 : memref<32xi32, #tpu.memory_space<vmem>>)
      tpu.yield
    }) : () -> ()
    %add3A_20 = arith.constant 96 : i32
    %add3A_21 = arith.addi %mul3A_9, %add3A_20 : i32
    %run_scoped3A_22 = arith.constant 3 : i32
    "tpu.region"() ({
      %run_scoped3A_280 = tpu.sem_alloc : memref<!tpu.dma_semaphore, #tpu.memory_space<semaphore_mem>>
      %dma_start3A_281 = arith.constant 0 : i32
      %dma_start3A_282 = tpu.memref_slice %arg9[%run_scoped3A_22, %dma_start3A_281] : memref<4x32xi32, #tpu.memory_space<vmem>> -> memref<1x32xi32, #tpu.memory_space<vmem>>
      %dma_start3A_283 = tpu.memref_squeeze %dma_start3A_282 : memref<1x32xi32, #tpu.memory_space<vmem>> -> memref<32xi32, #tpu.memory_space<vmem>>
      %dma_start3A_284 = tpu.memref_slice %arg3[%add3A_21] : memref<4096xi32, #tpu.memory_space<hbm>> -> memref<32xi32, #tpu.memory_space<hbm>>
      %dma_start3A_285 = arith.constant 0 : i32
      %dma_start3A_286 = tpu.memref_slice %arg9[%run_scoped3A_22, %dma_start3A_285] : memref<4x32xi32, #tpu.memory_space<vmem>> -> memref<1x32xi32, #tpu.memory_space<vmem>>
      %dma_start3A_287 = tpu.memref_squeeze %dma_start3A_286 : memref<1x32xi32, #tpu.memory_space<vmem>> -> memref<32xi32, #tpu.memory_space<vmem>>
      %dma_start3A_288 = tpu.memref_slice %arg3[%add3A_21] : memref<4096xi32, #tpu.memory_space<hbm>> -> memref<32xi32, #tpu.memory_space<hbm>>
      tpu.enqueue_dma source(%dma_start3A_288 : memref<32xi32, #tpu.memory_space<hbm>>) target(%dma_start3A_287 : memref<32xi32, #tpu.memory_space<vmem>>) target_semaphore(%run_scoped3A_280 : memref<!tpu.dma_semaphore, #tpu.memory_space<semaphore_mem>>)
      %dma_wait3A_289 = arith.constant 0 : i32
      %dma_wait3A_290 = tpu.memref_slice %arg9[%run_scoped3A_22, %dma_wait3A_289] : memref<4x32xi32, #tpu.memory_space<vmem>> -> memref<1x32xi32, #tpu.memory_space<vmem>>
      %dma_wait3A_291 = tpu.memref_squeeze %dma_wait3A_290 : memref<1x32xi32, #tpu.memory_space<vmem>> -> memref<32xi32, #tpu.memory_space<vmem>>
      %dma_wait3A_292 = tpu.memref_slice %arg3[%add3A_21] : memref<4096xi32, #tpu.memory_space<hbm>> -> memref<32xi32, #tpu.memory_space<hbm>>
      %dma_wait3A_293 = arith.constant 0 : i32
      %dma_wait3A_294 = tpu.memref_slice %arg9[%run_scoped3A_22, %dma_wait3A_293] : memref<4x32xi32, #tpu.memory_space<vmem>> -> memref<1x32xi32, #tpu.memory_space<vmem>>
      %dma_wait3A_295 = tpu.memref_squeeze %dma_wait3A_294 : memref<1x32xi32, #tpu.memory_space<vmem>> -> memref<32xi32, #tpu.memory_space<vmem>>
      %dma_wait3A_296 = tpu.memref_slice %arg3[%add3A_21] : memref<4096xi32, #tpu.memory_space<hbm>> -> memref<32xi32, #tpu.memory_space<hbm>>
      tpu.wait_dma2 semaphore(%run_scoped3A_280 : memref<!tpu.dma_semaphore, #tpu.memory_space<semaphore_mem>>) src(%dma_wait3A_296 : memref<32xi32, #tpu.memory_space<hbm>>) dst(%dma_wait3A_295 : memref<32xi32, #tpu.memory_space<vmem>>)
      tpu.yield
    }) : () -> ()
    %add3A_23 = arith.constant 0 : i32
    %add3A_24 = arith.addi %mul3A_11, %add3A_23 : i32
    "tpu.region"() ({
      %run_scoped3A_280 = tpu.sem_alloc : memref<!tpu.dma_semaphore, #tpu.memory_space<semaphore_mem>>
      %dma_start3A_281 = arith.constant 0 : i32
      %dma_start3A_282 = arith.constant 0 : i32
      %dma_start3A_283 = tpu.memref_slice %arg5[%add3A_24, %dma_start3A_281, %dma_start3A_282] : memref<512x8x128xf32, #tpu.memory_space<vmem_shared>> -> memref<8x8x128xf32, #tpu.memory_space<vmem_shared>>
      %dma_start3A_284 = arith.constant 0 : i32
      %dma_start3A_285 = arith.constant 0 : i32
      %dma_start3A_286 = tpu.memref_slice %arg5[%add3A_24, %dma_start3A_284, %dma_start3A_285] : memref<512x8x128xf32, #tpu.memory_space<vmem_shared>> -> memref<8x8x128xf32, #tpu.memory_space<vmem_shared>>
      tpu.enqueue_dma source(%arg8 : memref<8x8x128xf32, #tpu.memory_space<vmem>>) target(%dma_start3A_286 : memref<8x8x128xf32, #tpu.memory_space<vmem_shared>>) target_semaphore(%run_scoped3A_280 : memref<!tpu.dma_semaphore, #tpu.memory_space<semaphore_mem>>)
      %dma_wait3A_287 = arith.constant 0 : i32
      %dma_wait3A_288 = arith.constant 0 : i32
      %dma_wait3A_289 = tpu.memref_slice %arg5[%add3A_24, %dma_wait3A_287, %dma_wait3A_288] : memref<512x8x128xf32, #tpu.memory_space<vmem_shared>> -> memref<8x8x128xf32, #tpu.memory_space<vmem_shared>>
      %dma_wait3A_290 = arith.constant 0 : i32
      %dma_wait3A_291 = arith.constant 0 : i32
      %dma_wait3A_292 = tpu.memref_slice %arg5[%add3A_24, %dma_wait3A_290, %dma_wait3A_291] : memref<512x8x128xf32, #tpu.memory_space<vmem_shared>> -> memref<8x8x128xf32, #tpu.memory_space<vmem_shared>>
      tpu.wait_dma2 semaphore(%run_scoped3A_280 : memref<!tpu.dma_semaphore, #tpu.memory_space<semaphore_mem>>) src(%arg8 : memref<8x8x128xf32, #tpu.memory_space<vmem>>) dst(%dma_wait3A_292 : memref<8x8x128xf32, #tpu.memory_space<vmem_shared>>)
      tpu.yield
    }) : () -> ()
    %add3A_25 = arith.constant 8 : i32
    %add3A_26 = arith.addi %mul3A_11, %add3A_25 : i32
    "tpu.region"() ({
      %run_scoped3A_280 = tpu.sem_alloc : memref<!tpu.dma_semaphore, #tpu.memory_space<semaphore_mem>>
      %dma_start3A_281 = arith.constant 0 : i32
      %dma_start3A_282 = arith.constant 0 : i32
      %dma_start3A_283 = tpu.memref_slice %arg5[%add3A_26, %dma_start3A_281, %dma_start3A_282] : memref<512x8x128xf32, #tpu.memory_space<vmem_shared>> -> memref<8x8x128xf32, #tpu.memory_space<vmem_shared>>
      %dma_start3A_284 = arith.constant 0 : i32
      %dma_start3A_285 = arith.constant 0 : i32
      %dma_start3A_286 = tpu.memref_slice %arg5[%add3A_26, %dma_start3A_284, %dma_start3A_285] : memref<512x8x128xf32, #tpu.memory_space<vmem_shared>> -> memref<8x8x128xf32, #tpu.memory_space<vmem_shared>>
      tpu.enqueue_dma source(%arg8 : memref<8x8x128xf32, #tpu.memory_space<vmem>>) target(%dma_start3A_286 : memref<8x8x128xf32, #tpu.memory_space<vmem_shared>>) target_semaphore(%run_scoped3A_280 : memref<!tpu.dma_semaphore, #tpu.memory_space<semaphore_mem>>)
      %dma_wait3A_287 = arith.constant 0 : i32
      %dma_wait3A_288 = arith.constant 0 : i32
      %dma_wait3A_289 = tpu.memref_slice %arg5[%add3A_26, %dma_wait3A_287, %dma_wait3A_288] : memref<512x8x128xf32, #tpu.memory_space<vmem_shared>> -> memref<8x8x128xf32, #tpu.memory_space<vmem_shared>>
      %dma_wait3A_290 = arith.constant 0 : i32
      %dma_wait3A_291 = arith.constant 0 : i32
      %dma_wait3A_292 = tpu.memref_slice %arg5[%add3A_26, %dma_wait3A_290, %dma_wait3A_291] : memref<512x8x128xf32, #tpu.memory_space<vmem_shared>> -> memref<8x8x128xf32, #tpu.memory_space<vmem_shared>>
      tpu.wait_dma2 semaphore(%run_scoped3A_280 : memref<!tpu.dma_semaphore, #tpu.memory_space<semaphore_mem>>) src(%arg8 : memref<8x8x128xf32, #tpu.memory_space<vmem>>) dst(%dma_wait3A_292 : memref<8x8x128xf32, #tpu.memory_space<vmem_shared>>)
      tpu.yield
    }) : () -> ()
    %add3A_27 = arith.constant 16 : i32
    %add3A_28 = arith.addi %mul3A_11, %add3A_27 : i32
    "tpu.region"() ({
      %run_scoped3A_280 = tpu.sem_alloc : memref<!tpu.dma_semaphore, #tpu.memory_space<semaphore_mem>>
      %dma_start3A_281 = arith.constant 0 : i32
      %dma_start3A_282 = arith.constant 0 : i32
      %dma_start3A_283 = tpu.memref_slice %arg5[%add3A_28, %dma_start3A_281, %dma_start3A_282] : memref<512x8x128xf32, #tpu.memory_space<vmem_shared>> -> memref<8x8x128xf32, #tpu.memory_space<vmem_shared>>
      %dma_start3A_284 = arith.constant 0 : i32
      %dma_start3A_285 = arith.constant 0 : i32
      %dma_start3A_286 = tpu.memref_slice %arg5[%add3A_28, %dma_start3A_284, %dma_start3A_285] : memref<512x8x128xf32, #tpu.memory_space<vmem_shared>> -> memref<8x8x128xf32, #tpu.memory_space<vmem_shared>>
      tpu.enqueue_dma source(%arg8 : memref<8x8x128xf32, #tpu.memory_space<vmem>>) target(%dma_start3A_286 : memref<8x8x128xf32, #tpu.memory_space<vmem_shared>>) target_semaphore(%run_scoped3A_280 : memref<!tpu.dma_semaphore, #tpu.memory_space<semaphore_mem>>)
      %dma_wait3A_287 = arith.constant 0 : i32
      %dma_wait3A_288 = arith.constant 0 : i32
      %dma_wait3A_289 = tpu.memref_slice %arg5[%add3A_28, %dma_wait3A_287, %dma_wait3A_288] : memref<512x8x128xf32, #tpu.memory_space<vmem_shared>> -> memref<8x8x128xf32, #tpu.memory_space<vmem_shared>>
      %dma_wait3A_290 = arith.constant 0 : i32
      %dma_wait3A_291 = arith.constant 0 : i32
      %dma_wait3A_292 = tpu.memref_slice %arg5[%add3A_28, %dma_wait3A_290, %dma_wait3A_291] : memref<512x8x128xf32, #tpu.memory_space<vmem_shared>> -> memref<8x8x128xf32, #tpu.memory_space<vmem_shared>>
      tpu.wait_dma2 semaphore(%run_scoped3A_280 : memref<!tpu.dma_semaphore, #tpu.memory_space<semaphore_mem>>) src(%arg8 : memref<8x8x128xf32, #tpu.memory_space<vmem>>) dst(%dma_wait3A_292 : memref<8x8x128xf32, #tpu.memory_space<vmem_shared>>)
      tpu.yield
    }) : () -> ()
    %add3A_29 = arith.constant 24 : i32
    %add3A_30 = arith.addi %mul3A_11, %add3A_29 : i32
    "tpu.region"() ({
      %run_scoped3A_280 = tpu.sem_alloc : memref<!tpu.dma_semaphore, #tpu.memory_space<semaphore_mem>>
      %dma_start3A_281 = arith.constant 0 : i32
      %dma_start3A_282 = arith.constant 0 : i32
      %dma_start3A_283 = tpu.memref_slice %arg5[%add3A_30, %dma_start3A_281, %dma_start3A_282] : memref<512x8x128xf32, #tpu.memory_space<vmem_shared>> -> memref<8x8x128xf32, #tpu.memory_space<vmem_shared>>
      %dma_start3A_284 = arith.constant 0 : i32
      %dma_start3A_285 = arith.constant 0 : i32
      %dma_start3A_286 = tpu.memref_slice %arg5[%add3A_30, %dma_start3A_284, %dma_start3A_285] : memref<512x8x128xf32, #tpu.memory_space<vmem_shared>> -> memref<8x8x128xf32, #tpu.memory_space<vmem_shared>>
      tpu.enqueue_dma source(%arg8 : memref<8x8x128xf32, #tpu.memory_space<vmem>>) target(%dma_start3A_286 : memref<8x8x128xf32, #tpu.memory_space<vmem_shared>>) target_semaphore(%run_scoped3A_280 : memref<!tpu.dma_semaphore, #tpu.memory_space<semaphore_mem>>)
      %dma_wait3A_287 = arith.constant 0 : i32
      %dma_wait3A_288 = arith.constant 0 : i32
      %dma_wait3A_289 = tpu.memref_slice %arg5[%add3A_30, %dma_wait3A_287, %dma_wait3A_288] : memref<512x8x128xf32, #tpu.memory_space<vmem_shared>> -> memref<8x8x128xf32, #tpu.memory_space<vmem_shared>>
      %dma_wait3A_290 = arith.constant 0 : i32
      %dma_wait3A_291 = arith.constant 0 : i32
      %dma_wait3A_292 = tpu.memref_slice %arg5[%add3A_30, %dma_wait3A_290, %dma_wait3A_291] : memref<512x8x128xf32, #tpu.memory_space<vmem_shared>> -> memref<8x8x128xf32, #tpu.memory_space<vmem_shared>>
      tpu.wait_dma2 semaphore(%run_scoped3A_280 : memref<!tpu.dma_semaphore, #tpu.memory_space<semaphore_mem>>) src(%arg8 : memref<8x8x128xf32, #tpu.memory_space<vmem>>) dst(%dma_wait3A_292 : memref<8x8x128xf32, #tpu.memory_space<vmem_shared>>)
      tpu.yield
    }) : () -> ()
    %barrier3A = arith.constant 0 : index
    tpu.barrier barrier_id(%barrier3A)
    %add3A_31 = arith.constant 0 : i32
    %add3A_32 = arith.addi %mul3A_9, %add3A_31 : i32
    %dma_start3A = arith.constant 0 : i32
    %dma_start3A_33 = arith.constant 0 : i32
    %dma_start3A_34 = tpu.memref_slice %arg2[%add3A_32, %dma_start3A, %dma_start3A_33] : memref<4096x16x128xf32, #tpu.memory_space<hbm>> -> memref<32x8x128xf32, #tpu.memory_space<hbm>>
    %dma_start3A_35 = arith.constant 0 : i32
    %dma_start3A_36 = arith.constant 0 : i32
    %dma_start3A_37 = tpu.memref_slice %arg2[%add3A_32, %dma_start3A_35, %dma_start3A_36] : memref<4096x16x128xf32, #tpu.memory_space<hbm>> -> memref<32x8x128xf32, #tpu.memory_space<hbm>>
    tpu.enqueue_dma source(%dma_start3A_37 : memref<32x8x128xf32, #tpu.memory_space<hbm>>) target(%arg6 : memref<32x8x128xf32, #tpu.memory_space<vmem>>) target_semaphore(%arg10 : memref<!tpu.dma_semaphore, #tpu.memory_space<semaphore_mem>>)
    %add3A_38 = arith.constant 32 : i32
    %add3A_39 = arith.addi %mul3A_9, %add3A_38 : i32
    %dma_start3A_40 = arith.constant 0 : i32
    %dma_start3A_41 = arith.constant 0 : i32
    %dma_start3A_42 = tpu.memref_slice %arg2[%add3A_39, %dma_start3A_40, %dma_start3A_41] : memref<4096x16x128xf32, #tpu.memory_space<hbm>> -> memref<32x8x128xf32, #tpu.memory_space<hbm>>
    %dma_start3A_43 = arith.constant 0 : i32
    %dma_start3A_44 = arith.constant 0 : i32
    %dma_start3A_45 = tpu.memref_slice %arg2[%add3A_39, %dma_start3A_43, %dma_start3A_44] : memref<4096x16x128xf32, #tpu.memory_space<hbm>> -> memref<32x8x128xf32, #tpu.memory_space<hbm>>
    tpu.enqueue_dma source(%dma_start3A_45 : memref<32x8x128xf32, #tpu.memory_space<hbm>>) target(%arg7 : memref<32x8x128xf32, #tpu.memory_space<vmem>>) target_semaphore(%arg11 : memref<!tpu.dma_semaphore, #tpu.memory_space<semaphore_mem>>)
    %dma_wait3A = arith.constant 0 : i32
    %dma_wait3A_46 = arith.constant 0 : i32
    %dma_wait3A_47 = tpu.memref_slice %arg2[%add3A_32, %dma_wait3A, %dma_wait3A_46] : memref<4096x16x128xf32, #tpu.memory_space<hbm>> -> memref<32x8x128xf32, #tpu.memory_space<hbm>>
    %dma_wait3A_48 = arith.constant 0 : i32
    %dma_wait3A_49 = arith.constant 0 : i32
    %dma_wait3A_50 = tpu.memref_slice %arg2[%add3A_32, %dma_wait3A_48, %dma_wait3A_49] : memref<4096x16x128xf32, #tpu.memory_space<hbm>> -> memref<32x8x128xf32, #tpu.memory_space<hbm>>
    tpu.wait_dma2 semaphore(%arg10 : memref<!tpu.dma_semaphore, #tpu.memory_space<semaphore_mem>>) src(%dma_wait3A_50 : memref<32x8x128xf32, #tpu.memory_space<hbm>>) dst(%arg6 : memref<32x8x128xf32, #tpu.memory_space<vmem>>)
    %dma_start3A_51 = arith.constant 0 : i32
    %dma_start3A_52 = arith.constant 0 : i32
    %dma_start3A_53 = tpu.memref_slice %arg9[%dma_start3A_51, %dma_start3A_52] : memref<4x32xi32, #tpu.memory_space<vmem>> -> memref<1x32xi32, #tpu.memory_space<vmem>>
    %dma_start3A_54 = tpu.memref_squeeze %dma_start3A_53 : memref<1x32xi32, #tpu.memory_space<vmem>> -> memref<32xi32, #tpu.memory_space<vmem>>
    %dma_start3A_55 = arith.constant 0 : i32
    %dma_start3A_56 = arith.constant 0 : i32
    %dma_start3A_57 = arith.constant 0 : i32
    %dma_start3A_58 = tpu.memref_slice %arg5[%dma_start3A_55, %dma_start3A_56, %dma_start3A_57] : memref<512x8x128xf32, #tpu.memory_space<vmem_shared>> -> memref<512x8x128xf32, #tpu.memory_space<vmem_shared>>
    tpu.enqueue_indirect_dma source(%arg6 : memref<32x8x128xf32, #tpu.memory_space<vmem>>) target(%dma_start3A_58 : memref<512x8x128xf32, #tpu.memory_space<vmem_shared>>) offsets(%dma_start3A_54 : memref<32xi32, #tpu.memory_space<vmem>>) semaphore(%arg12 : memref<!tpu.dma_semaphore, #tpu.memory_space<semaphore_mem>>) {add = true}
    %dma_wait3A_59 = arith.constant 0 : i32
    %dma_wait3A_60 = arith.constant 0 : i32
    %dma_wait3A_61 = tpu.memref_slice %arg9[%dma_wait3A_59, %dma_wait3A_60] : memref<4x32xi32, #tpu.memory_space<vmem>> -> memref<1x32xi32, #tpu.memory_space<vmem>>
    %dma_wait3A_62 = tpu.memref_squeeze %dma_wait3A_61 : memref<1x32xi32, #tpu.memory_space<vmem>> -> memref<32xi32, #tpu.memory_space<vmem>>
    %dma_wait3A_63 = arith.constant 0 : i32
    %dma_wait3A_64 = arith.constant 0 : i32
    %dma_wait3A_65 = arith.constant 0 : i32
    %dma_wait3A_66 = tpu.memref_slice %arg5[%dma_wait3A_63, %dma_wait3A_64, %dma_wait3A_65] : memref<512x8x128xf32, #tpu.memory_space<vmem_shared>> -> memref<512x8x128xf32, #tpu.memory_space<vmem_shared>>
    tpu.wait_indirect_dma semaphore(%arg12 : memref<!tpu.dma_semaphore, #tpu.memory_space<semaphore_mem>>) src(%arg6 : memref<32x8x128xf32, #tpu.memory_space<vmem>>) dst(%dma_wait3A_66 : memref<512x8x128xf32, #tpu.memory_space<vmem_shared>>)
    %add3A_67 = arith.constant 64 : i32
    %add3A_68 = arith.addi %mul3A_9, %add3A_67 : i32
    %dma_start3A_69 = arith.constant 0 : i32
    %dma_start3A_70 = arith.constant 0 : i32
    %dma_start3A_71 = tpu.memref_slice %arg2[%add3A_68, %dma_start3A_69, %dma_start3A_70] : memref<4096x16x128xf32, #tpu.memory_space<hbm>> -> memref<32x8x128xf32, #tpu.memory_space<hbm>>
    %dma_start3A_72 = arith.constant 0 : i32
    %dma_start3A_73 = arith.constant 0 : i32
    %dma_start3A_74 = tpu.memref_slice %arg2[%add3A_68, %dma_start3A_72, %dma_start3A_73] : memref<4096x16x128xf32, #tpu.memory_space<hbm>> -> memref<32x8x128xf32, #tpu.memory_space<hbm>>
    tpu.enqueue_dma source(%dma_start3A_74 : memref<32x8x128xf32, #tpu.memory_space<hbm>>) target(%arg6 : memref<32x8x128xf32, #tpu.memory_space<vmem>>) target_semaphore(%arg10 : memref<!tpu.dma_semaphore, #tpu.memory_space<semaphore_mem>>)
    %dma_wait3A_75 = arith.constant 0 : i32
    %dma_wait3A_76 = arith.constant 0 : i32
    %dma_wait3A_77 = tpu.memref_slice %arg2[%add3A_39, %dma_wait3A_75, %dma_wait3A_76] : memref<4096x16x128xf32, #tpu.memory_space<hbm>> -> memref<32x8x128xf32, #tpu.memory_space<hbm>>
    %dma_wait3A_78 = arith.constant 0 : i32
    %dma_wait3A_79 = arith.constant 0 : i32
    %dma_wait3A_80 = tpu.memref_slice %arg2[%add3A_39, %dma_wait3A_78, %dma_wait3A_79] : memref<4096x16x128xf32, #tpu.memory_space<hbm>> -> memref<32x8x128xf32, #tpu.memory_space<hbm>>
    tpu.wait_dma2 semaphore(%arg11 : memref<!tpu.dma_semaphore, #tpu.memory_space<semaphore_mem>>) src(%dma_wait3A_80 : memref<32x8x128xf32, #tpu.memory_space<hbm>>) dst(%arg7 : memref<32x8x128xf32, #tpu.memory_space<vmem>>)
    %dma_start3A_81 = arith.constant 1 : i32
    %dma_start3A_82 = arith.constant 0 : i32
    %dma_start3A_83 = tpu.memref_slice %arg9[%dma_start3A_81, %dma_start3A_82] : memref<4x32xi32, #tpu.memory_space<vmem>> -> memref<1x32xi32, #tpu.memory_space<vmem>>
    %dma_start3A_84 = tpu.memref_squeeze %dma_start3A_83 : memref<1x32xi32, #tpu.memory_space<vmem>> -> memref<32xi32, #tpu.memory_space<vmem>>
    %dma_start3A_85 = arith.constant 0 : i32
    %dma_start3A_86 = arith.constant 0 : i32
    %dma_start3A_87 = arith.constant 0 : i32
    %dma_start3A_88 = tpu.memref_slice %arg5[%dma_start3A_85, %dma_start3A_86, %dma_start3A_87] : memref<512x8x128xf32, #tpu.memory_space<vmem_shared>> -> memref<512x8x128xf32, #tpu.memory_space<vmem_shared>>
    tpu.enqueue_indirect_dma source(%arg7 : memref<32x8x128xf32, #tpu.memory_space<vmem>>) target(%dma_start3A_88 : memref<512x8x128xf32, #tpu.memory_space<vmem_shared>>) offsets(%dma_start3A_84 : memref<32xi32, #tpu.memory_space<vmem>>) semaphore(%arg13 : memref<!tpu.dma_semaphore, #tpu.memory_space<semaphore_mem>>) {add = true}
    %dma_wait3A_89 = arith.constant 1 : i32
    %dma_wait3A_90 = arith.constant 0 : i32
    %dma_wait3A_91 = tpu.memref_slice %arg9[%dma_wait3A_89, %dma_wait3A_90] : memref<4x32xi32, #tpu.memory_space<vmem>> -> memref<1x32xi32, #tpu.memory_space<vmem>>
    %dma_wait3A_92 = tpu.memref_squeeze %dma_wait3A_91 : memref<1x32xi32, #tpu.memory_space<vmem>> -> memref<32xi32, #tpu.memory_space<vmem>>
    %dma_wait3A_93 = arith.constant 0 : i32
    %dma_wait3A_94 = arith.constant 0 : i32
    %dma_wait3A_95 = arith.constant 0 : i32
    %dma_wait3A_96 = tpu.memref_slice %arg5[%dma_wait3A_93, %dma_wait3A_94, %dma_wait3A_95] : memref<512x8x128xf32, #tpu.memory_space<vmem_shared>> -> memref<512x8x128xf32, #tpu.memory_space<vmem_shared>>
    tpu.wait_indirect_dma semaphore(%arg13 : memref<!tpu.dma_semaphore, #tpu.memory_space<semaphore_mem>>) src(%arg7 : memref<32x8x128xf32, #tpu.memory_space<vmem>>) dst(%dma_wait3A_96 : memref<512x8x128xf32, #tpu.memory_space<vmem_shared>>)
    %add3A_97 = arith.constant 96 : i32
    %add3A_98 = arith.addi %mul3A_9, %add3A_97 : i32
    %dma_start3A_99 = arith.constant 0 : i32
    %dma_start3A_100 = arith.constant 0 : i32
    %dma_start3A_101 = tpu.memref_slice %arg2[%add3A_98, %dma_start3A_99, %dma_start3A_100] : memref<4096x16x128xf32, #tpu.memory_space<hbm>> -> memref<32x8x128xf32, #tpu.memory_space<hbm>>
    %dma_start3A_102 = arith.constant 0 : i32
    %dma_start3A_103 = arith.constant 0 : i32
    %dma_start3A_104 = tpu.memref_slice %arg2[%add3A_98, %dma_start3A_102, %dma_start3A_103] : memref<4096x16x128xf32, #tpu.memory_space<hbm>> -> memref<32x8x128xf32, #tpu.memory_space<hbm>>
    tpu.enqueue_dma source(%dma_start3A_104 : memref<32x8x128xf32, #tpu.memory_space<hbm>>) target(%arg7 : memref<32x8x128xf32, #tpu.memory_space<vmem>>) target_semaphore(%arg11 : memref<!tpu.dma_semaphore, #tpu.memory_space<semaphore_mem>>)
    %dma_wait3A_105 = arith.constant 0 : i32
    %dma_wait3A_106 = arith.constant 0 : i32
    %dma_wait3A_107 = tpu.memref_slice %arg2[%add3A_68, %dma_wait3A_105, %dma_wait3A_106] : memref<4096x16x128xf32, #tpu.memory_space<hbm>> -> memref<32x8x128xf32, #tpu.memory_space<hbm>>
    %dma_wait3A_108 = arith.constant 0 : i32
    %dma_wait3A_109 = arith.constant 0 : i32
    %dma_wait3A_110 = tpu.memref_slice %arg2[%add3A_68, %dma_wait3A_108, %dma_wait3A_109] : memref<4096x16x128xf32, #tpu.memory_space<hbm>> -> memref<32x8x128xf32, #tpu.memory_space<hbm>>
    tpu.wait_dma2 semaphore(%arg10 : memref<!tpu.dma_semaphore, #tpu.memory_space<semaphore_mem>>) src(%dma_wait3A_110 : memref<32x8x128xf32, #tpu.memory_space<hbm>>) dst(%arg6 : memref<32x8x128xf32, #tpu.memory_space<vmem>>)
    %dma_start3A_111 = arith.constant 2 : i32
    %dma_start3A_112 = arith.constant 0 : i32
    %dma_start3A_113 = tpu.memref_slice %arg9[%dma_start3A_111, %dma_start3A_112] : memref<4x32xi32, #tpu.memory_space<vmem>> -> memref<1x32xi32, #tpu.memory_space<vmem>>
    %dma_start3A_114 = tpu.memref_squeeze %dma_start3A_113 : memref<1x32xi32, #tpu.memory_space<vmem>> -> memref<32xi32, #tpu.memory_space<vmem>>
    %dma_start3A_115 = arith.constant 0 : i32
    %dma_start3A_116 = arith.constant 0 : i32
    %dma_start3A_117 = arith.constant 0 : i32
    %dma_start3A_118 = tpu.memref_slice %arg5[%dma_start3A_115, %dma_start3A_116, %dma_start3A_117] : memref<512x8x128xf32, #tpu.memory_space<vmem_shared>> -> memref<512x8x128xf32, #tpu.memory_space<vmem_shared>>
    tpu.enqueue_indirect_dma source(%arg6 : memref<32x8x128xf32, #tpu.memory_space<vmem>>) target(%dma_start3A_118 : memref<512x8x128xf32, #tpu.memory_space<vmem_shared>>) offsets(%dma_start3A_114 : memref<32xi32, #tpu.memory_space<vmem>>) semaphore(%arg12 : memref<!tpu.dma_semaphore, #tpu.memory_space<semaphore_mem>>) {add = true}
    %dma_wait3A_119 = arith.constant 0 : i32
    %dma_wait3A_120 = arith.constant 0 : i32
    %dma_wait3A_121 = tpu.memref_slice %arg2[%add3A_98, %dma_wait3A_119, %dma_wait3A_120] : memref<4096x16x128xf32, #tpu.memory_space<hbm>> -> memref<32x8x128xf32, #tpu.memory_space<hbm>>
    %dma_wait3A_122 = arith.constant 0 : i32
    %dma_wait3A_123 = arith.constant 0 : i32
    %dma_wait3A_124 = tpu.memref_slice %arg2[%add3A_98, %dma_wait3A_122, %dma_wait3A_123] : memref<4096x16x128xf32, #tpu.memory_space<hbm>> -> memref<32x8x128xf32, #tpu.memory_space<hbm>>
    tpu.wait_dma2 semaphore(%arg11 : memref<!tpu.dma_semaphore, #tpu.memory_space<semaphore_mem>>) src(%dma_wait3A_124 : memref<32x8x128xf32, #tpu.memory_space<hbm>>) dst(%arg7 : memref<32x8x128xf32, #tpu.memory_space<vmem>>)
    %dma_start3A_125 = arith.constant 3 : i32
    %dma_start3A_126 = arith.constant 0 : i32
    %dma_start3A_127 = tpu.memref_slice %arg9[%dma_start3A_125, %dma_start3A_126] : memref<4x32xi32, #tpu.memory_space<vmem>> -> memref<1x32xi32, #tpu.memory_space<vmem>>
    %dma_start3A_128 = tpu.memref_squeeze %dma_start3A_127 : memref<1x32xi32, #tpu.memory_space<vmem>> -> memref<32xi32, #tpu.memory_space<vmem>>
    %dma_start3A_129 = arith.constant 0 : i32
    %dma_start3A_130 = arith.constant 0 : i32
    %dma_start3A_131 = arith.constant 0 : i32
    %dma_start3A_132 = tpu.memref_slice %arg5[%dma_start3A_129, %dma_start3A_130, %dma_start3A_131] : memref<512x8x128xf32, #tpu.memory_space<vmem_shared>> -> memref<512x8x128xf32, #tpu.memory_space<vmem_shared>>
    tpu.enqueue_indirect_dma source(%arg7 : memref<32x8x128xf32, #tpu.memory_space<vmem>>) target(%dma_start3A_132 : memref<512x8x128xf32, #tpu.memory_space<vmem_shared>>) offsets(%dma_start3A_128 : memref<32xi32, #tpu.memory_space<vmem>>) semaphore(%arg13 : memref<!tpu.dma_semaphore, #tpu.memory_space<semaphore_mem>>) {add = true}
    %dma_wait3A_133 = arith.constant 2 : i32
    %dma_wait3A_134 = arith.constant 0 : i32
    %dma_wait3A_135 = tpu.memref_slice %arg9[%dma_wait3A_133, %dma_wait3A_134] : memref<4x32xi32, #tpu.memory_space<vmem>> -> memref<1x32xi32, #tpu.memory_space<vmem>>
    %dma_wait3A_136 = tpu.memref_squeeze %dma_wait3A_135 : memref<1x32xi32, #tpu.memory_space<vmem>> -> memref<32xi32, #tpu.memory_space<vmem>>
    %dma_wait3A_137 = arith.constant 0 : i32
    %dma_wait3A_138 = arith.constant 0 : i32
    %dma_wait3A_139 = arith.constant 0 : i32
    %dma_wait3A_140 = tpu.memref_slice %arg5[%dma_wait3A_137, %dma_wait3A_138, %dma_wait3A_139] : memref<512x8x128xf32, #tpu.memory_space<vmem_shared>> -> memref<512x8x128xf32, #tpu.memory_space<vmem_shared>>
    tpu.wait_indirect_dma semaphore(%arg12 : memref<!tpu.dma_semaphore, #tpu.memory_space<semaphore_mem>>) src(%arg6 : memref<32x8x128xf32, #tpu.memory_space<vmem>>) dst(%dma_wait3A_140 : memref<512x8x128xf32, #tpu.memory_space<vmem_shared>>)
    %dma_wait3A_141 = arith.constant 3 : i32
    %dma_wait3A_142 = arith.constant 0 : i32
    %dma_wait3A_143 = tpu.memref_slice %arg9[%dma_wait3A_141, %dma_wait3A_142] : memref<4x32xi32, #tpu.memory_space<vmem>> -> memref<1x32xi32, #tpu.memory_space<vmem>>
    %dma_wait3A_144 = tpu.memref_squeeze %dma_wait3A_143 : memref<1x32xi32, #tpu.memory_space<vmem>> -> memref<32xi32, #tpu.memory_space<vmem>>
    %dma_wait3A_145 = arith.constant 0 : i32
    %dma_wait3A_146 = arith.constant 0 : i32
    %dma_wait3A_147 = arith.constant 0 : i32
    %dma_wait3A_148 = tpu.memref_slice %arg5[%dma_wait3A_145, %dma_wait3A_146, %dma_wait3A_147] : memref<512x8x128xf32, #tpu.memory_space<vmem_shared>> -> memref<512x8x128xf32, #tpu.memory_space<vmem_shared>>
    tpu.wait_indirect_dma semaphore(%arg13 : memref<!tpu.dma_semaphore, #tpu.memory_space<semaphore_mem>>) src(%arg7 : memref<32x8x128xf32, #tpu.memory_space<vmem>>) dst(%dma_wait3A_148 : memref<512x8x128xf32, #tpu.memory_space<vmem_shared>>)
    %barrier3A_149 = arith.constant 0 : index
    tpu.barrier barrier_id(%barrier3A_149)
    "tpu.region"() ({
      %run_scoped3A_280 = tpu.sem_alloc : memref<!tpu.dma_semaphore, #tpu.memory_space<semaphore_mem>>
      %dma_start3A_281 = arith.constant 0 : i32
      %dma_start3A_282 = arith.constant 0 : i32
      %dma_start3A_283 = tpu.memref_slice %arg4[%arg0, %mul3A_11, %dma_start3A_281, %dma_start3A_282] : memref<2x512x16x128xf32, #tpu.memory_space<hbm>> -> memref<1x32x8x128xf32, #tpu.memory_space<hbm>>
      %dma_start3A_284 = tpu.memref_squeeze %dma_start3A_283 : memref<1x32x8x128xf32, #tpu.memory_space<hbm>> -> memref<32x8x128xf32, #tpu.memory_space<hbm>>
      %dma_start3A_285 = arith.constant 0 : i32
      %dma_start3A_286 = arith.constant 0 : i32
      %dma_start3A_287 = tpu.memref_slice %arg5[%mul3A_11, %dma_start3A_285, %dma_start3A_286] : memref<512x8x128xf32, #tpu.memory_space<vmem_shared>> -> memref<32x8x128xf32, #tpu.memory_space<vmem_shared>>
      tpu.enqueue_dma source(%dma_start3A_287 : memref<32x8x128xf32, #tpu.memory_space<vmem_shared>>) target(%dma_start3A_284 : memref<32x8x128xf32, #tpu.memory_space<hbm>>) target_semaphore(%run_scoped3A_280 : memref<!tpu.dma_semaphore, #tpu.memory_space<semaphore_mem>>)
      %dma_wait3A_288 = arith.constant 0 : i32
      %dma_wait3A_289 = arith.constant 0 : i32
      %dma_wait3A_290 = tpu.memref_slice %arg4[%arg0, %mul3A_11, %dma_wait3A_288, %dma_wait3A_289] : memref<2x512x16x128xf32, #tpu.memory_space<hbm>> -> memref<1x32x8x128xf32, #tpu.memory_space<hbm>>
      %dma_wait3A_291 = tpu.memref_squeeze %dma_wait3A_290 : memref<1x32x8x128xf32, #tpu.memory_space<hbm>> -> memref<32x8x128xf32, #tpu.memory_space<hbm>>
      %dma_wait3A_292 = arith.constant 0 : i32
      %dma_wait3A_293 = arith.constant 0 : i32
      %dma_wait3A_294 = tpu.memref_slice %arg5[%mul3A_11, %dma_wait3A_292, %dma_wait3A_293] : memref<512x8x128xf32, #tpu.memory_space<vmem_shared>> -> memref<32x8x128xf32, #tpu.memory_space<vmem_shared>>
      tpu.wait_dma2 semaphore(%run_scoped3A_280 : memref<!tpu.dma_semaphore, #tpu.memory_space<semaphore_mem>>) src(%dma_wait3A_294 : memref<32x8x128xf32, #tpu.memory_space<vmem_shared>>) dst(%dma_wait3A_291 : memref<32x8x128xf32, #tpu.memory_space<hbm>>)
      tpu.yield
    }) : () -> ()
    %add3A_150 = arith.constant 0 : i32
    %add3A_151 = arith.addi %mul3A_11, %add3A_150 : i32
    "tpu.region"() ({
      %run_scoped3A_280 = tpu.sem_alloc : memref<!tpu.dma_semaphore, #tpu.memory_space<semaphore_mem>>
      %dma_start3A_281 = arith.constant 0 : i32
      %dma_start3A_282 = arith.constant 0 : i32
      %dma_start3A_283 = tpu.memref_slice %arg5[%add3A_151, %dma_start3A_281, %dma_start3A_282] : memref<512x8x128xf32, #tpu.memory_space<vmem_shared>> -> memref<8x8x128xf32, #tpu.memory_space<vmem_shared>>
      %dma_start3A_284 = arith.constant 0 : i32
      %dma_start3A_285 = arith.constant 0 : i32
      %dma_start3A_286 = tpu.memref_slice %arg5[%add3A_151, %dma_start3A_284, %dma_start3A_285] : memref<512x8x128xf32, #tpu.memory_space<vmem_shared>> -> memref<8x8x128xf32, #tpu.memory_space<vmem_shared>>
      tpu.enqueue_dma source(%arg8 : memref<8x8x128xf32, #tpu.memory_space<vmem>>) target(%dma_start3A_286 : memref<8x8x128xf32, #tpu.memory_space<vmem_shared>>) target_semaphore(%run_scoped3A_280 : memref<!tpu.dma_semaphore, #tpu.memory_space<semaphore_mem>>)
      %dma_wait3A_287 = arith.constant 0 : i32
      %dma_wait3A_288 = arith.constant 0 : i32
      %dma_wait3A_289 = tpu.memref_slice %arg5[%add3A_151, %dma_wait3A_287, %dma_wait3A_288] : memref<512x8x128xf32, #tpu.memory_space<vmem_shared>> -> memref<8x8x128xf32, #tpu.memory_space<vmem_shared>>
      %dma_wait3A_290 = arith.constant 0 : i32
      %dma_wait3A_291 = arith.constant 0 : i32
      %dma_wait3A_292 = tpu.memref_slice %arg5[%add3A_151, %dma_wait3A_290, %dma_wait3A_291] : memref<512x8x128xf32, #tpu.memory_space<vmem_shared>> -> memref<8x8x128xf32, #tpu.memory_space<vmem_shared>>
      tpu.wait_dma2 semaphore(%run_scoped3A_280 : memref<!tpu.dma_semaphore, #tpu.memory_space<semaphore_mem>>) src(%arg8 : memref<8x8x128xf32, #tpu.memory_space<vmem>>) dst(%dma_wait3A_292 : memref<8x8x128xf32, #tpu.memory_space<vmem_shared>>)
      tpu.yield
    }) : () -> ()
    %add3A_152 = arith.constant 8 : i32
    %add3A_153 = arith.addi %mul3A_11, %add3A_152 : i32
    "tpu.region"() ({
      %run_scoped3A_280 = tpu.sem_alloc : memref<!tpu.dma_semaphore, #tpu.memory_space<semaphore_mem>>
      %dma_start3A_281 = arith.constant 0 : i32
      %dma_start3A_282 = arith.constant 0 : i32
      %dma_start3A_283 = tpu.memref_slice %arg5[%add3A_153, %dma_start3A_281, %dma_start3A_282] : memref<512x8x128xf32, #tpu.memory_space<vmem_shared>> -> memref<8x8x128xf32, #tpu.memory_space<vmem_shared>>
      %dma_start3A_284 = arith.constant 0 : i32
      %dma_start3A_285 = arith.constant 0 : i32
      %dma_start3A_286 = tpu.memref_slice %arg5[%add3A_153, %dma_start3A_284, %dma_start3A_285] : memref<512x8x128xf32, #tpu.memory_space<vmem_shared>> -> memref<8x8x128xf32, #tpu.memory_space<vmem_shared>>
      tpu.enqueue_dma source(%arg8 : memref<8x8x128xf32, #tpu.memory_space<vmem>>) target(%dma_start3A_286 : memref<8x8x128xf32, #tpu.memory_space<vmem_shared>>) target_semaphore(%run_scoped3A_280 : memref<!tpu.dma_semaphore, #tpu.memory_space<semaphore_mem>>)
      %dma_wait3A_287 = arith.constant 0 : i32
      %dma_wait3A_288 = arith.constant 0 : i32
      %dma_wait3A_289 = tpu.memref_slice %arg5[%add3A_153, %dma_wait3A_287, %dma_wait3A_288] : memref<512x8x128xf32, #tpu.memory_space<vmem_shared>> -> memref<8x8x128xf32, #tpu.memory_space<vmem_shared>>
      %dma_wait3A_290 = arith.constant 0 : i32
      %dma_wait3A_291 = arith.constant 0 : i32
      %dma_wait3A_292 = tpu.memref_slice %arg5[%add3A_153, %dma_wait3A_290, %dma_wait3A_291] : memref<512x8x128xf32, #tpu.memory_space<vmem_shared>> -> memref<8x8x128xf32, #tpu.memory_space<vmem_shared>>
      tpu.wait_dma2 semaphore(%run_scoped3A_280 : memref<!tpu.dma_semaphore, #tpu.memory_space<semaphore_mem>>) src(%arg8 : memref<8x8x128xf32, #tpu.memory_space<vmem>>) dst(%dma_wait3A_292 : memref<8x8x128xf32, #tpu.memory_space<vmem_shared>>)
      tpu.yield
    }) : () -> ()
    %add3A_154 = arith.constant 16 : i32
    %add3A_155 = arith.addi %mul3A_11, %add3A_154 : i32
    "tpu.region"() ({
      %run_scoped3A_280 = tpu.sem_alloc : memref<!tpu.dma_semaphore, #tpu.memory_space<semaphore_mem>>
      %dma_start3A_281 = arith.constant 0 : i32
      %dma_start3A_282 = arith.constant 0 : i32
      %dma_start3A_283 = tpu.memref_slice %arg5[%add3A_155, %dma_start3A_281, %dma_start3A_282] : memref<512x8x128xf32, #tpu.memory_space<vmem_shared>> -> memref<8x8x128xf32, #tpu.memory_space<vmem_shared>>
      %dma_start3A_284 = arith.constant 0 : i32
      %dma_start3A_285 = arith.constant 0 : i32
      %dma_start3A_286 = tpu.memref_slice %arg5[%add3A_155, %dma_start3A_284, %dma_start3A_285] : memref<512x8x128xf32, #tpu.memory_space<vmem_shared>> -> memref<8x8x128xf32, #tpu.memory_space<vmem_shared>>
      tpu.enqueue_dma source(%arg8 : memref<8x8x128xf32, #tpu.memory_space<vmem>>) target(%dma_start3A_286 : memref<8x8x128xf32, #tpu.memory_space<vmem_shared>>) target_semaphore(%run_scoped3A_280 : memref<!tpu.dma_semaphore, #tpu.memory_space<semaphore_mem>>)
      %dma_wait3A_287 = arith.constant 0 : i32
      %dma_wait3A_288 = arith.constant 0 : i32
      %dma_wait3A_289 = tpu.memref_slice %arg5[%add3A_155, %dma_wait3A_287, %dma_wait3A_288] : memref<512x8x128xf32, #tpu.memory_space<vmem_shared>> -> memref<8x8x128xf32, #tpu.memory_space<vmem_shared>>
      %dma_wait3A_290 = arith.constant 0 : i32
      %dma_wait3A_291 = arith.constant 0 : i32
      %dma_wait3A_292 = tpu.memref_slice %arg5[%add3A_155, %dma_wait3A_290, %dma_wait3A_291] : memref<512x8x128xf32, #tpu.memory_space<vmem_shared>> -> memref<8x8x128xf32, #tpu.memory_space<vmem_shared>>
      tpu.wait_dma2 semaphore(%run_scoped3A_280 : memref<!tpu.dma_semaphore, #tpu.memory_space<semaphore_mem>>) src(%arg8 : memref<8x8x128xf32, #tpu.memory_space<vmem>>) dst(%dma_wait3A_292 : memref<8x8x128xf32, #tpu.memory_space<vmem_shared>>)
      tpu.yield
    }) : () -> ()
    %add3A_156 = arith.constant 24 : i32
    %add3A_157 = arith.addi %mul3A_11, %add3A_156 : i32
    "tpu.region"() ({
      %run_scoped3A_280 = tpu.sem_alloc : memref<!tpu.dma_semaphore, #tpu.memory_space<semaphore_mem>>
      %dma_start3A_281 = arith.constant 0 : i32
      %dma_start3A_282 = arith.constant 0 : i32
      %dma_start3A_283 = tpu.memref_slice %arg5[%add3A_157, %dma_start3A_281, %dma_start3A_282] : memref<512x8x128xf32, #tpu.memory_space<vmem_shared>> -> memref<8x8x128xf32, #tpu.memory_space<vmem_shared>>
      %dma_start3A_284 = arith.constant 0 : i32
      %dma_start3A_285 = arith.constant 0 : i32
      %dma_start3A_286 = tpu.memref_slice %arg5[%add3A_157, %dma_start3A_284, %dma_start3A_285] : memref<512x8x128xf32, #tpu.memory_space<vmem_shared>> -> memref<8x8x128xf32, #tpu.memory_space<vmem_shared>>
      tpu.enqueue_dma source(%arg8 : memref<8x8x128xf32, #tpu.memory_space<vmem>>) target(%dma_start3A_286 : memref<8x8x128xf32, #tpu.memory_space<vmem_shared>>) target_semaphore(%run_scoped3A_280 : memref<!tpu.dma_semaphore, #tpu.memory_space<semaphore_mem>>)
      %dma_wait3A_287 = arith.constant 0 : i32
      %dma_wait3A_288 = arith.constant 0 : i32
      %dma_wait3A_289 = tpu.memref_slice %arg5[%add3A_157, %dma_wait3A_287, %dma_wait3A_288] : memref<512x8x128xf32, #tpu.memory_space<vmem_shared>> -> memref<8x8x128xf32, #tpu.memory_space<vmem_shared>>
      %dma_wait3A_290 = arith.constant 0 : i32
      %dma_wait3A_291 = arith.constant 0 : i32
      %dma_wait3A_292 = tpu.memref_slice %arg5[%add3A_157, %dma_wait3A_290, %dma_wait3A_291] : memref<512x8x128xf32, #tpu.memory_space<vmem_shared>> -> memref<8x8x128xf32, #tpu.memory_space<vmem_shared>>
      tpu.wait_dma2 semaphore(%run_scoped3A_280 : memref<!tpu.dma_semaphore, #tpu.memory_space<semaphore_mem>>) src(%arg8 : memref<8x8x128xf32, #tpu.memory_space<vmem>>) dst(%dma_wait3A_292 : memref<8x8x128xf32, #tpu.memory_space<vmem_shared>>)
      tpu.yield
    }) : () -> ()
    %barrier3A_158 = arith.constant 0 : index
    tpu.barrier barrier_id(%barrier3A_158)
    %add3A_159 = arith.constant 0 : i32
    %add3A_160 = arith.addi %mul3A_9, %add3A_159 : i32
    %dma_start3A_161 = arith.constant 8 : i32
    %dma_start3A_162 = arith.constant 0 : i32
    %dma_start3A_163 = tpu.memref_slice %arg2[%add3A_160, %dma_start3A_161, %dma_start3A_162] : memref<4096x16x128xf32, #tpu.memory_space<hbm>> -> memref<32x8x128xf32, #tpu.memory_space<hbm>>
    %dma_start3A_164 = arith.constant 8 : i32
    %dma_start3A_165 = arith.constant 0 : i32
    %dma_start3A_166 = tpu.memref_slice %arg2[%add3A_160, %dma_start3A_164, %dma_start3A_165] : memref<4096x16x128xf32, #tpu.memory_space<hbm>> -> memref<32x8x128xf32, #tpu.memory_space<hbm>>
    tpu.enqueue_dma source(%dma_start3A_166 : memref<32x8x128xf32, #tpu.memory_space<hbm>>) target(%arg6 : memref<32x8x128xf32, #tpu.memory_space<vmem>>) target_semaphore(%arg10 : memref<!tpu.dma_semaphore, #tpu.memory_space<semaphore_mem>>)
    %add3A_167 = arith.constant 32 : i32
    %add3A_168 = arith.addi %mul3A_9, %add3A_167 : i32
    %dma_start3A_169 = arith.constant 8 : i32
    %dma_start3A_170 = arith.constant 0 : i32
    %dma_start3A_171 = tpu.memref_slice %arg2[%add3A_168, %dma_start3A_169, %dma_start3A_170] : memref<4096x16x128xf32, #tpu.memory_space<hbm>> -> memref<32x8x128xf32, #tpu.memory_space<hbm>>
    %dma_start3A_172 = arith.constant 8 : i32
    %dma_start3A_173 = arith.constant 0 : i32
    %dma_start3A_174 = tpu.memref_slice %arg2[%add3A_168, %dma_start3A_172, %dma_start3A_173] : memref<4096x16x128xf32, #tpu.memory_space<hbm>> -> memref<32x8x128xf32, #tpu.memory_space<hbm>>
    tpu.enqueue_dma source(%dma_start3A_174 : memref<32x8x128xf32, #tpu.memory_space<hbm>>) target(%arg7 : memref<32x8x128xf32, #tpu.memory_space<vmem>>) target_semaphore(%arg11 : memref<!tpu.dma_semaphore, #tpu.memory_space<semaphore_mem>>)
    %dma_wait3A_175 = arith.constant 8 : i32
    %dma_wait3A_176 = arith.constant 0 : i32
    %dma_wait3A_177 = tpu.memref_slice %arg2[%add3A_160, %dma_wait3A_175, %dma_wait3A_176] : memref<4096x16x128xf32, #tpu.memory_space<hbm>> -> memref<32x8x128xf32, #tpu.memory_space<hbm>>
    %dma_wait3A_178 = arith.constant 8 : i32
    %dma_wait3A_179 = arith.constant 0 : i32
    %dma_wait3A_180 = tpu.memref_slice %arg2[%add3A_160, %dma_wait3A_178, %dma_wait3A_179] : memref<4096x16x128xf32, #tpu.memory_space<hbm>> -> memref<32x8x128xf32, #tpu.memory_space<hbm>>
    tpu.wait_dma2 semaphore(%arg10 : memref<!tpu.dma_semaphore, #tpu.memory_space<semaphore_mem>>) src(%dma_wait3A_180 : memref<32x8x128xf32, #tpu.memory_space<hbm>>) dst(%arg6 : memref<32x8x128xf32, #tpu.memory_space<vmem>>)
    %dma_start3A_181 = arith.constant 0 : i32
    %dma_start3A_182 = arith.constant 0 : i32
    %dma_start3A_183 = tpu.memref_slice %arg9[%dma_start3A_181, %dma_start3A_182] : memref<4x32xi32, #tpu.memory_space<vmem>> -> memref<1x32xi32, #tpu.memory_space<vmem>>
    %dma_start3A_184 = tpu.memref_squeeze %dma_start3A_183 : memref<1x32xi32, #tpu.memory_space<vmem>> -> memref<32xi32, #tpu.memory_space<vmem>>
    %dma_start3A_185 = arith.constant 0 : i32
    %dma_start3A_186 = arith.constant 0 : i32
    %dma_start3A_187 = arith.constant 0 : i32
    %dma_start3A_188 = tpu.memref_slice %arg5[%dma_start3A_185, %dma_start3A_186, %dma_start3A_187] : memref<512x8x128xf32, #tpu.memory_space<vmem_shared>> -> memref<512x8x128xf32, #tpu.memory_space<vmem_shared>>
    tpu.enqueue_indirect_dma source(%arg6 : memref<32x8x128xf32, #tpu.memory_space<vmem>>) target(%dma_start3A_188 : memref<512x8x128xf32, #tpu.memory_space<vmem_shared>>) offsets(%dma_start3A_184 : memref<32xi32, #tpu.memory_space<vmem>>) semaphore(%arg12 : memref<!tpu.dma_semaphore, #tpu.memory_space<semaphore_mem>>) {add = true}
    %dma_wait3A_189 = arith.constant 0 : i32
    %dma_wait3A_190 = arith.constant 0 : i32
    %dma_wait3A_191 = tpu.memref_slice %arg9[%dma_wait3A_189, %dma_wait3A_190] : memref<4x32xi32, #tpu.memory_space<vmem>> -> memref<1x32xi32, #tpu.memory_space<vmem>>
    %dma_wait3A_192 = tpu.memref_squeeze %dma_wait3A_191 : memref<1x32xi32, #tpu.memory_space<vmem>> -> memref<32xi32, #tpu.memory_space<vmem>>
    %dma_wait3A_193 = arith.constant 0 : i32
    %dma_wait3A_194 = arith.constant 0 : i32
    %dma_wait3A_195 = arith.constant 0 : i32
    %dma_wait3A_196 = tpu.memref_slice %arg5[%dma_wait3A_193, %dma_wait3A_194, %dma_wait3A_195] : memref<512x8x128xf32, #tpu.memory_space<vmem_shared>> -> memref<512x8x128xf32, #tpu.memory_space<vmem_shared>>
    tpu.wait_indirect_dma semaphore(%arg12 : memref<!tpu.dma_semaphore, #tpu.memory_space<semaphore_mem>>) src(%arg6 : memref<32x8x128xf32, #tpu.memory_space<vmem>>) dst(%dma_wait3A_196 : memref<512x8x128xf32, #tpu.memory_space<vmem_shared>>)
    %add3A_197 = arith.constant 64 : i32
    %add3A_198 = arith.addi %mul3A_9, %add3A_197 : i32
    %dma_start3A_199 = arith.constant 8 : i32
    %dma_start3A_200 = arith.constant 0 : i32
    %dma_start3A_201 = tpu.memref_slice %arg2[%add3A_198, %dma_start3A_199, %dma_start3A_200] : memref<4096x16x128xf32, #tpu.memory_space<hbm>> -> memref<32x8x128xf32, #tpu.memory_space<hbm>>
    %dma_start3A_202 = arith.constant 8 : i32
    %dma_start3A_203 = arith.constant 0 : i32
    %dma_start3A_204 = tpu.memref_slice %arg2[%add3A_198, %dma_start3A_202, %dma_start3A_203] : memref<4096x16x128xf32, #tpu.memory_space<hbm>> -> memref<32x8x128xf32, #tpu.memory_space<hbm>>
    tpu.enqueue_dma source(%dma_start3A_204 : memref<32x8x128xf32, #tpu.memory_space<hbm>>) target(%arg6 : memref<32x8x128xf32, #tpu.memory_space<vmem>>) target_semaphore(%arg10 : memref<!tpu.dma_semaphore, #tpu.memory_space<semaphore_mem>>)
    %dma_wait3A_205 = arith.constant 8 : i32
    %dma_wait3A_206 = arith.constant 0 : i32
    %dma_wait3A_207 = tpu.memref_slice %arg2[%add3A_168, %dma_wait3A_205, %dma_wait3A_206] : memref<4096x16x128xf32, #tpu.memory_space<hbm>> -> memref<32x8x128xf32, #tpu.memory_space<hbm>>
    %dma_wait3A_208 = arith.constant 8 : i32
    %dma_wait3A_209 = arith.constant 0 : i32
    %dma_wait3A_210 = tpu.memref_slice %arg2[%add3A_168, %dma_wait3A_208, %dma_wait3A_209] : memref<4096x16x128xf32, #tpu.memory_space<hbm>> -> memref<32x8x128xf32, #tpu.memory_space<hbm>>
    tpu.wait_dma2 semaphore(%arg11 : memref<!tpu.dma_semaphore, #tpu.memory_space<semaphore_mem>>) src(%dma_wait3A_210 : memref<32x8x128xf32, #tpu.memory_space<hbm>>) dst(%arg7 : memref<32x8x128xf32, #tpu.memory_space<vmem>>)
    %dma_start3A_211 = arith.constant 1 : i32
    %dma_start3A_212 = arith.constant 0 : i32
    %dma_start3A_213 = tpu.memref_slice %arg9[%dma_start3A_211, %dma_start3A_212] : memref<4x32xi32, #tpu.memory_space<vmem>> -> memref<1x32xi32, #tpu.memory_space<vmem>>
    %dma_start3A_214 = tpu.memref_squeeze %dma_start3A_213 : memref<1x32xi32, #tpu.memory_space<vmem>> -> memref<32xi32, #tpu.memory_space<vmem>>
    %dma_start3A_215 = arith.constant 0 : i32
    %dma_start3A_216 = arith.constant 0 : i32
    %dma_start3A_217 = arith.constant 0 : i32
    %dma_start3A_218 = tpu.memref_slice %arg5[%dma_start3A_215, %dma_start3A_216, %dma_start3A_217] : memref<512x8x128xf32, #tpu.memory_space<vmem_shared>> -> memref<512x8x128xf32, #tpu.memory_space<vmem_shared>>
    tpu.enqueue_indirect_dma source(%arg7 : memref<32x8x128xf32, #tpu.memory_space<vmem>>) target(%dma_start3A_218 : memref<512x8x128xf32, #tpu.memory_space<vmem_shared>>) offsets(%dma_start3A_214 : memref<32xi32, #tpu.memory_space<vmem>>) semaphore(%arg13 : memref<!tpu.dma_semaphore, #tpu.memory_space<semaphore_mem>>) {add = true}
    %dma_wait3A_219 = arith.constant 1 : i32
    %dma_wait3A_220 = arith.constant 0 : i32
    %dma_wait3A_221 = tpu.memref_slice %arg9[%dma_wait3A_219, %dma_wait3A_220] : memref<4x32xi32, #tpu.memory_space<vmem>> -> memref<1x32xi32, #tpu.memory_space<vmem>>
    %dma_wait3A_222 = tpu.memref_squeeze %dma_wait3A_221 : memref<1x32xi32, #tpu.memory_space<vmem>> -> memref<32xi32, #tpu.memory_space<vmem>>
    %dma_wait3A_223 = arith.constant 0 : i32
    %dma_wait3A_224 = arith.constant 0 : i32
    %dma_wait3A_225 = arith.constant 0 : i32
    %dma_wait3A_226 = tpu.memref_slice %arg5[%dma_wait3A_223, %dma_wait3A_224, %dma_wait3A_225] : memref<512x8x128xf32, #tpu.memory_space<vmem_shared>> -> memref<512x8x128xf32, #tpu.memory_space<vmem_shared>>
    tpu.wait_indirect_dma semaphore(%arg13 : memref<!tpu.dma_semaphore, #tpu.memory_space<semaphore_mem>>) src(%arg7 : memref<32x8x128xf32, #tpu.memory_space<vmem>>) dst(%dma_wait3A_226 : memref<512x8x128xf32, #tpu.memory_space<vmem_shared>>)
    %add3A_227 = arith.constant 96 : i32
    %add3A_228 = arith.addi %mul3A_9, %add3A_227 : i32
    %dma_start3A_229 = arith.constant 8 : i32
    %dma_start3A_230 = arith.constant 0 : i32
    %dma_start3A_231 = tpu.memref_slice %arg2[%add3A_228, %dma_start3A_229, %dma_start3A_230] : memref<4096x16x128xf32, #tpu.memory_space<hbm>> -> memref<32x8x128xf32, #tpu.memory_space<hbm>>
    %dma_start3A_232 = arith.constant 8 : i32
    %dma_start3A_233 = arith.constant 0 : i32
    %dma_start3A_234 = tpu.memref_slice %arg2[%add3A_228, %dma_start3A_232, %dma_start3A_233] : memref<4096x16x128xf32, #tpu.memory_space<hbm>> -> memref<32x8x128xf32, #tpu.memory_space<hbm>>
    tpu.enqueue_dma source(%dma_start3A_234 : memref<32x8x128xf32, #tpu.memory_space<hbm>>) target(%arg7 : memref<32x8x128xf32, #tpu.memory_space<vmem>>) target_semaphore(%arg11 : memref<!tpu.dma_semaphore, #tpu.memory_space<semaphore_mem>>)
    %dma_wait3A_235 = arith.constant 8 : i32
    %dma_wait3A_236 = arith.constant 0 : i32
    %dma_wait3A_237 = tpu.memref_slice %arg2[%add3A_198, %dma_wait3A_235, %dma_wait3A_236] : memref<4096x16x128xf32, #tpu.memory_space<hbm>> -> memref<32x8x128xf32, #tpu.memory_space<hbm>>
    %dma_wait3A_238 = arith.constant 8 : i32
    %dma_wait3A_239 = arith.constant 0 : i32
    %dma_wait3A_240 = tpu.memref_slice %arg2[%add3A_198, %dma_wait3A_238, %dma_wait3A_239] : memref<4096x16x128xf32, #tpu.memory_space<hbm>> -> memref<32x8x128xf32, #tpu.memory_space<hbm>>
    tpu.wait_dma2 semaphore(%arg10 : memref<!tpu.dma_semaphore, #tpu.memory_space<semaphore_mem>>) src(%dma_wait3A_240 : memref<32x8x128xf32, #tpu.memory_space<hbm>>) dst(%arg6 : memref<32x8x128xf32, #tpu.memory_space<vmem>>)
    %dma_start3A_241 = arith.constant 2 : i32
    %dma_start3A_242 = arith.constant 0 : i32
    %dma_start3A_243 = tpu.memref_slice %arg9[%dma_start3A_241, %dma_start3A_242] : memref<4x32xi32, #tpu.memory_space<vmem>> -> memref<1x32xi32, #tpu.memory_space<vmem>>
    %dma_start3A_244 = tpu.memref_squeeze %dma_start3A_243 : memref<1x32xi32, #tpu.memory_space<vmem>> -> memref<32xi32, #tpu.memory_space<vmem>>
    %dma_start3A_245 = arith.constant 0 : i32
    %dma_start3A_246 = arith.constant 0 : i32
    %dma_start3A_247 = arith.constant 0 : i32
    %dma_start3A_248 = tpu.memref_slice %arg5[%dma_start3A_245, %dma_start3A_246, %dma_start3A_247] : memref<512x8x128xf32, #tpu.memory_space<vmem_shared>> -> memref<512x8x128xf32, #tpu.memory_space<vmem_shared>>
    tpu.enqueue_indirect_dma source(%arg6 : memref<32x8x128xf32, #tpu.memory_space<vmem>>) target(%dma_start3A_248 : memref<512x8x128xf32, #tpu.memory_space<vmem_shared>>) offsets(%dma_start3A_244 : memref<32xi32, #tpu.memory_space<vmem>>) semaphore(%arg12 : memref<!tpu.dma_semaphore, #tpu.memory_space<semaphore_mem>>) {add = true}
    %dma_wait3A_249 = arith.constant 8 : i32
    %dma_wait3A_250 = arith.constant 0 : i32
    %dma_wait3A_251 = tpu.memref_slice %arg2[%add3A_228, %dma_wait3A_249, %dma_wait3A_250] : memref<4096x16x128xf32, #tpu.memory_space<hbm>> -> memref<32x8x128xf32, #tpu.memory_space<hbm>>
    %dma_wait3A_252 = arith.constant 8 : i32
    %dma_wait3A_253 = arith.constant 0 : i32
    %dma_wait3A_254 = tpu.memref_slice %arg2[%add3A_228, %dma_wait3A_252, %dma_wait3A_253] : memref<4096x16x128xf32, #tpu.memory_space<hbm>> -> memref<32x8x128xf32, #tpu.memory_space<hbm>>
    tpu.wait_dma2 semaphore(%arg11 : memref<!tpu.dma_semaphore, #tpu.memory_space<semaphore_mem>>) src(%dma_wait3A_254 : memref<32x8x128xf32, #tpu.memory_space<hbm>>) dst(%arg7 : memref<32x8x128xf32, #tpu.memory_space<vmem>>)
    %dma_start3A_255 = arith.constant 3 : i32
    %dma_start3A_256 = arith.constant 0 : i32
    %dma_start3A_257 = tpu.memref_slice %arg9[%dma_start3A_255, %dma_start3A_256] : memref<4x32xi32, #tpu.memory_space<vmem>> -> memref<1x32xi32, #tpu.memory_space<vmem>>
    %dma_start3A_258 = tpu.memref_squeeze %dma_start3A_257 : memref<1x32xi32, #tpu.memory_space<vmem>> -> memref<32xi32, #tpu.memory_space<vmem>>
    %dma_start3A_259 = arith.constant 0 : i32
    %dma_start3A_260 = arith.constant 0 : i32
    %dma_start3A_261 = arith.constant 0 : i32
    %dma_start3A_262 = tpu.memref_slice %arg5[%dma_start3A_259, %dma_start3A_260, %dma_start3A_261] : memref<512x8x128xf32, #tpu.memory_space<vmem_shared>> -> memref<512x8x128xf32, #tpu.memory_space<vmem_shared>>
    tpu.enqueue_indirect_dma source(%arg7 : memref<32x8x128xf32, #tpu.memory_space<vmem>>) target(%dma_start3A_262 : memref<512x8x128xf32, #tpu.memory_space<vmem_shared>>) offsets(%dma_start3A_258 : memref<32xi32, #tpu.memory_space<vmem>>) semaphore(%arg13 : memref<!tpu.dma_semaphore, #tpu.memory_space<semaphore_mem>>) {add = true}
    %dma_wait3A_263 = arith.constant 2 : i32
    %dma_wait3A_264 = arith.constant 0 : i32
    %dma_wait3A_265 = tpu.memref_slice %arg9[%dma_wait3A_263, %dma_wait3A_264] : memref<4x32xi32, #tpu.memory_space<vmem>> -> memref<1x32xi32, #tpu.memory_space<vmem>>
    %dma_wait3A_266 = tpu.memref_squeeze %dma_wait3A_265 : memref<1x32xi32, #tpu.memory_space<vmem>> -> memref<32xi32, #tpu.memory_space<vmem>>
    %dma_wait3A_267 = arith.constant 0 : i32
    %dma_wait3A_268 = arith.constant 0 : i32
    %dma_wait3A_269 = arith.constant 0 : i32
    %dma_wait3A_270 = tpu.memref_slice %arg5[%dma_wait3A_267, %dma_wait3A_268, %dma_wait3A_269] : memref<512x8x128xf32, #tpu.memory_space<vmem_shared>> -> memref<512x8x128xf32, #tpu.memory_space<vmem_shared>>
    tpu.wait_indirect_dma semaphore(%arg12 : memref<!tpu.dma_semaphore, #tpu.memory_space<semaphore_mem>>) src(%arg6 : memref<32x8x128xf32, #tpu.memory_space<vmem>>) dst(%dma_wait3A_270 : memref<512x8x128xf32, #tpu.memory_space<vmem_shared>>)
    %dma_wait3A_271 = arith.constant 3 : i32
    %dma_wait3A_272 = arith.constant 0 : i32
    %dma_wait3A_273 = tpu.memref_slice %arg9[%dma_wait3A_271, %dma_wait3A_272] : memref<4x32xi32, #tpu.memory_space<vmem>> -> memref<1x32xi32, #tpu.memory_space<vmem>>
    %dma_wait3A_274 = tpu.memref_squeeze %dma_wait3A_273 : memref<1x32xi32, #tpu.memory_space<vmem>> -> memref<32xi32, #tpu.memory_space<vmem>>
    %dma_wait3A_275 = arith.constant 0 : i32
    %dma_wait3A_276 = arith.constant 0 : i32
    %dma_wait3A_277 = arith.constant 0 : i32
    %dma_wait3A_278 = tpu.memref_slice %arg5[%dma_wait3A_275, %dma_wait3A_276, %dma_wait3A_277] : memref<512x8x128xf32, #tpu.memory_space<vmem_shared>> -> memref<512x8x128xf32, #tpu.memory_space<vmem_shared>>
    tpu.wait_indirect_dma semaphore(%arg13 : memref<!tpu.dma_semaphore, #tpu.memory_space<semaphore_mem>>) src(%arg7 : memref<32x8x128xf32, #tpu.memory_space<vmem>>) dst(%dma_wait3A_278 : memref<512x8x128xf32, #tpu.memory_space<vmem_shared>>)
    %barrier3A_279 = arith.constant 0 : index
    tpu.barrier barrier_id(%barrier3A_279)
    "tpu.region"() ({
      %run_scoped3A_280 = tpu.sem_alloc : memref<!tpu.dma_semaphore, #tpu.memory_space<semaphore_mem>>
      %dma_start3A_281 = arith.constant 8 : i32
      %dma_start3A_282 = arith.constant 0 : i32
      %dma_start3A_283 = tpu.memref_slice %arg4[%arg0, %mul3A_11, %dma_start3A_281, %dma_start3A_282] : memref<2x512x16x128xf32, #tpu.memory_space<hbm>> -> memref<1x32x8x128xf32, #tpu.memory_space<hbm>>
      %dma_start3A_284 = tpu.memref_squeeze %dma_start3A_283 : memref<1x32x8x128xf32, #tpu.memory_space<hbm>> -> memref<32x8x128xf32, #tpu.memory_space<hbm>>
      %dma_start3A_285 = arith.constant 0 : i32
      %dma_start3A_286 = arith.constant 0 : i32
      %dma_start3A_287 = tpu.memref_slice %arg5[%mul3A_11, %dma_start3A_285, %dma_start3A_286] : memref<512x8x128xf32, #tpu.memory_space<vmem_shared>> -> memref<32x8x128xf32, #tpu.memory_space<vmem_shared>>
      tpu.enqueue_dma source(%dma_start3A_287 : memref<32x8x128xf32, #tpu.memory_space<vmem_shared>>) target(%dma_start3A_284 : memref<32x8x128xf32, #tpu.memory_space<hbm>>) target_semaphore(%run_scoped3A_280 : memref<!tpu.dma_semaphore, #tpu.memory_space<semaphore_mem>>)
      %dma_wait3A_288 = arith.constant 8 : i32
      %dma_wait3A_289 = arith.constant 0 : i32
      %dma_wait3A_290 = tpu.memref_slice %arg4[%arg0, %mul3A_11, %dma_wait3A_288, %dma_wait3A_289] : memref<2x512x16x128xf32, #tpu.memory_space<hbm>> -> memref<1x32x8x128xf32, #tpu.memory_space<hbm>>
      %dma_wait3A_291 = tpu.memref_squeeze %dma_wait3A_290 : memref<1x32x8x128xf32, #tpu.memory_space<hbm>> -> memref<32x8x128xf32, #tpu.memory_space<hbm>>
      %dma_wait3A_292 = arith.constant 0 : i32
      %dma_wait3A_293 = arith.constant 0 : i32
      %dma_wait3A_294 = tpu.memref_slice %arg5[%mul3A_11, %dma_wait3A_292, %dma_wait3A_293] : memref<512x8x128xf32, #tpu.memory_space<vmem_shared>> -> memref<32x8x128xf32, #tpu.memory_space<vmem_shared>>
      tpu.wait_dma2 semaphore(%run_scoped3A_280 : memref<!tpu.dma_semaphore, #tpu.memory_space<semaphore_mem>>) src(%dma_wait3A_294 : memref<32x8x128xf32, #tpu.memory_space<vmem_shared>>) dst(%dma_wait3A_291 : memref<32x8x128xf32, #tpu.memory_space<hbm>>)
      tpu.yield
    }) : () -> ()
    return
  }
}

</mosaic_0001>

<sc_bundles>
// kernel: _sc_segment_sums.3.cloned.1.call-start
scs
__scs_entry_jumppad:
0x0: {  	(pc) =	sbr.rel $0x88, $3  }
0x1: {  	(tag) =	ssettag $0x0;
	lr =	simm.s32 $0x1  }
0x2: {  	[smem:$0x3F9F] =	sst lr;
	_ =	strace $0xD0000000  }
0x3: {  	_ = 	snop  }
0x4: {  	_ = 	snop  }
0x5: {  	_ = 	snop  }
0x6: {  	_ = 	snop  }
0x7: {  	_ = 	snop  }
__scs_overlays_trampoline_lowered:
0x8: {  	[smem:$0x3FAE] =	sst s0  }
0x9: {  	[smem:$0x3FAF] =	sst s1  }
0xa: {  	[smem:$0x3FB0] =	sst s2  }
0xb: {  	[smem:$0x3FB1] =	sst s3  }
0xc: {  	[smem:$0x3FB2] =	sst s4  }
0xd: {  	[smem:$0x3FB3] =	sst s5  }
0xe: {  	[smem:$0x3FB4] =	sst s6  }
0xf: {  	[smem:$0x3FB5] =	sst s7  }
0x10: {  	[smem:$0x3FB6] =	sst s8  }
0x11: {  	[smem:$0x3FB7] =	sst s9;
	s0 =	simm.s32 @!p0 $0x0  }
0x12: {  	s1 =	sld [smem:$0x3F9D];
	s0 =	simm.s32 @p0 $0x1  }
0x13: {  	[smem:$0x3FB8] =	sst s0;
	s0 =	simm.s32 @!p1 $0x0  }
0x14: {  	s2 =	sld [smem:$0x3F9C];
	s0 =	simm.s32 @p1 $0x1  }
0x15: {  	[smem:$0x3FB9] =	sst s0;
	s0 =	simm.s32 @!p2 $0x0  }
0x16: {  	s3 =	sld [smem:$0x3FDB];
	s0 =	simm.s32 @p2 $0x1  }
0x17: {  	s4 =	simm.s32 $0x1BF5;
	[smem:$0x3FBB] =	sst s0  }
0x18: {  	s0 =	sld [smem:$0x3F9E];
	_ =	swait.ge [sflag:s4], $0x0  }
0x19: {  	s7 =	sld [smem:$0x3F9F]  }
0x1a: {  	s8 =	sadd.s32 $0xFFFFE003, lr  }
0x1b: {  	s9 =	sadd.s32 $0xFFFFFEF7, lr;
	s5 =	simm.s32 $0xFFFFFFFF;
	p2 =	slt.u32 s8, $0xFFFFF086  }
0x1c: {  	p1 =	slt.u32 s9, $0xF7A;
	s5 =	simm.s32 @!p2 $0x0  }
0x1d: {  	s5 =	simm.s32 @p1 $0x1;
	p0 =	seq.s32 s7, s2  }
0x1e: {  	s7 =	smul.u32 @!p0 $0xF7A, s2;
	p2 =	seq.s32 @!p0 s5, $0x0  }
0x1f: {  	s9 =	smul.u32 $0xF7A, s1;
	s8 =	simm.s32 @!p0 $0x1BF5;
	p2 =	por !p2, p0  }
0x20: {  	[sflag:s8] =	ssyncset.s32 @!p0 $0xFFFFF086;
	s6 =	sadd.s32 @!p0 s3, s7;
	s7 =	simm.s32 @!p0 $0x108  }
0x21: {  	s3 =	sadd.s32 s3, s9;
	s6 =	sadd.s32 @!p0 $0x88, s6;
	s7 =	simm.s32 @p2 $0x1082  }
0x22: {  	[simem:s7], [sflag:s8] =	dma.local @!p0 [hbm:s6], $0xF7A  }
0x23: {  	s9 =	sor.u32 $0xD0000000, s2;
	s6 =	simm.s32 $0x108;
	_ =	swait.ge @!p0 [sflag:s8], $0x0  }
0x24: {  	s3 =	sadd.s32 $0x88, s3;
	s6 =	simm.s32 @!p1 $0x1082;
	[sflag:s4] =	ssyncset.s32 $0xFFFFF086  }
0x25: {  	[simem:s6], [sflag:s4] =	dma.local [hbm:s3], $0xF7A  }
0x26: {  	[smem:$0x3F9F] =	sst s1;
	(tag) =	ssettag s2;
	_ =	strace s9  }
0x27: {  	s1 =	sld [smem:$0x3FAF]  }
0x28: {  	s2 =	sld [smem:$0x3FB0]  }
0x29: {  	s4 =	sld [smem:$0x3FB2]  }
0x2a: {  	p0 =	seq.s32 s5, $0x0;
	s5 =	sld [smem:$0x3FB3]  }
0x2b: {  	s6 =	sld [smem:$0x3FB4]  }
0x2c: {  	s7 =	sld [smem:$0x3FB5]  }
0x2d: {  	s3 =	simm.s32 $0x108;
	s8 =	sld [smem:$0x3FB6]  }
0x2e: {  	s3 =	simm.s32 @!p0 $0x1082;
	s9 =	sld [smem:$0x3FB7]  }
0x2f: {  	lr =	sadd.s32 s0, s3;
	s0 =	sld [smem:$0x3FAE]  }
0x30: {  	s3 =	sld [smem:$0x3FB1]  }
0x31: {  	[smem:$0x3FBA] =	sst s10  }
0x32: {  	s10 =	sld [smem:$0x3FB8];
	_ =	sdelay $0x3  }
0x33: {  	p0 =	seq.s32 s10, $0x1;
	s10 =	sld [smem:$0x3FBA];
	_ =	sdelay $0x3  }
0x34: {  	[smem:$0x3FBA] =	sst s10  }
0x35: {  	s10 =	sld [smem:$0x3FB9];
	_ =	sdelay $0x3  }
0x36: {  	p1 =	seq.s32 s10, $0x1;
	s10 =	sld [smem:$0x3FBA];
	_ =	sdelay $0x3  }
0x37: {  	[smem:$0x3FBA] =	sst s10  }
0x38: {  	s10 =	sld [smem:$0x3FBB]  }
0x39: {  	_ = 	snop;
	(pc) =	sbr.ind lr, $3  }
0x3a: {  	_ = 	snop  }
0x3b: {  	_ = 	snop  }
0x3c: {  	p2 =	seq.s32 s10, $0x1;
	s10 =	sld [smem:$0x3FBA]  }
0x3d: {  	_ =	shalt  }
0x3e: {  	_ =	shalt  }
0x3f: {  	_ =	shalt  }
0x40: {  	_ =	shalt  }
0x41: {  	_ =	shalt  }
0x42: {  	_ =	shalt  }
0x43: {  	_ =	shalt  }
0x44: {  	_ =	shalt  }
0x45: {  	_ =	shalt  }
0x46: {  	_ =	shalt  }
0x47: {  	_ =	shalt  }
0x48: {  	_ =	shalt  }
0x49: {  	_ =	shalt  }
0x4a: {  	_ =	shalt  }
0x4b: {  	_ =	shalt  }
0x4c: {  	_ =	shalt  }
0x4d: {  	_ =	shalt  }
0x4e: {  	_ =	shalt  }
0x4f: {  	_ =	shalt  }
0x50: {  	_ =	shalt  }
0x51: {  	_ =	shalt  }
0x52: {  	_ =	shalt  }
0x53: {  	_ =	shalt  }
0x54: {  	_ =	shalt  }
0x55: {  	_ =	shalt  }
0x56: {  	_ =	shalt  }
0x57: {  	_ =	shalt  }
0x58: {  	_ =	shalt  }
0x59: {  	_ =	shalt  }
0x5a: {  	_ =	shalt  }
0x5b: {  	_ =	shalt  }
0x5c: {  	_ =	shalt  }
0x5d: {  	_ =	shalt  }
0x5e: {  	_ =	shalt  }
0x5f: {  	_ =	shalt  }
0x60: {  	_ =	shalt  }
0x61: {  	_ =	shalt  }
0x62: {  	_ =	shalt  }
0x63: {  	_ =	shalt  }
0x64: {  	_ =	shalt  }
0x65: {  	_ =	shalt  }
0x66: {  	_ =	shalt  }
0x67: {  	_ =	shalt  }
0x68: {  	_ =	shalt  }
0x69: {  	_ =	shalt  }
0x6a: {  	_ =	shalt  }
0x6b: {  	_ =	shalt  }
0x6c: {  	_ =	shalt  }
0x6d: {  	_ =	shalt  }
0x6e: {  	_ =	shalt  }
0x6f: {  	_ =	shalt  }
0x70: {  	_ =	shalt  }
0x71: {  	_ =	shalt  }
0x72: {  	_ =	shalt  }
0x73: {  	_ =	shalt  }
0x74: {  	_ =	shalt  }
0x75: {  	_ =	shalt  }
0x76: {  	_ =	shalt  }
0x77: {  	_ =	shalt  }
0x78: {  	_ =	shalt  }
0x79: {  	_ =	shalt  }
0x7a: {  	_ =	shalt  }
0x7b: {  	_ =	shalt  }
0x7c: {  	_ =	shalt  }
0x7d: {  	_ =	shalt  }
0x7e: {  	_ =	shalt  }
0x7f: {  	_ =	shalt  }
0x80: {  	_ =	shalt  }
0x81: {  	_ =	shalt  }
0x82: {  	_ =	shalt  }
0x83: {  	_ =	shalt  }
0x84: {  	_ =	shalt  }
0x85: {  	_ =	shalt  }
0x86: {  	_ =	shalt  }
0x87: {  	_ =	shalt  }
.Lfunc_end0:
.L_simem_size_0:
called_computation_lowered:
.L_overlay_start_0:
0x88: {  	s2 =	sld [smem:$0x3FD9]  }
0x89: {  	s3 =	sld [smem:$0x3FFE];
	_ =	sdelay $0x1  }
0x8a: {  	s1 =	srdreg.scid  }
0x8b: {  	s0 =	sand.u32 $0x1, s1  }
0x8c: {  	s18 =	sshll.u32 s0, $0xA;
	s2 =	sadd.s32 s3, s2  }
0x8d: {  	s2 =	sadd.s32 s2, s18  }
0x8e: {  	[smem:$0x3FC6] =	sst s2  }
0x8f: {  	_ = 	snop  }
0x90: {  	s2 =	sld [smem:$0x3FC9]  }
0x91: {  	s19 =	sld [smem:$0x3FC8]  }
0x92: {  	s4 =	sld [smem:$0x3FD0];
	(tm) =	ssettm $0x1  }
0x93: {  	s5 =	sld [smem:$0x3FFB];
	_ =	sdelay $0x3  }
0x94: {  	_ =	strace s5  }
0x95: {  	s5 =	sld [smem:$0x3FFC];
	_ =	sdelay $0x3  }
0x96: {  	_ =	strace s5  }
0x97: {  	s5 =	sld [smem:$0x3FFD];
	_ =	sdelay $0x3  }
0x98: {  	_ =	strace s5  }
0x99: {  	_ =	strace $0x8FFFFFFF  }
0x9a: {  	s20 =	sld [smem:$0x3FDB];
	_ =	sdelay $0x1  }
0x9b: {  	s6 =	simm.s32 $_scs_section_size  }
0x9c: {  	s7 =	simm.s32 $_size__tile_overlayer_lowered;
	s8 =	simm.s32 $_tile_overlayer_lowered  }
0x9d: {  	s23 =	simm.s32 $0x1BFF;
	s22 =	sshll.u32 s8, $0x1;
	s5 =	sadd.s32 s6, s20  }
0x9e: {  	s9 =	simm.s32 $0x0;
	s21 =	sshll.u32 s7, $0x1;
	s7 =	sadd.s32 s22, s5  }
0x9f: {  	[timem:s9], [sflag:s23] =	dma.local [hbm:s7], s21  }
0xa0: {  	_ =	swait.ge [sflag:s23], s21  }
0xa1: {  	s6 =	ssub.s32 $0x0, s21;
	[sflag:s23] =	ssyncset.done $0x0  }
0xa2: {  	[sflag:s23] =	ssyncadd.s32 s6;
	_ =	sdelay $0x1  }
0xa3: {  	s24 =	simm.s32 $0x1B8B  }
0xa4: {  	_ =	swait.ge [sflag:s24], $0x1  }
0xa5: {  	[sflag:s24] =	ssyncset.done $0x0  }
0xa6: {  	s25 =	simm.s32 $0x1B8E;
	[sflag:s24] =	ssyncadd.s32 $0xFFFFFFFF  }
0xa7: {  	s26 =	simm.s32 $execute0_lowered;
	[smem:$0x3FD2] =	sst s25  }
0xa8: {  	s6 =	sshll.u32 s26, $0x1;
	_ =	strace $0x80000046;
	[dreg:$0x1] =	wrdreg $0xFFFFFFFF  }
0xa9: {  	s28 =	simm.s32 $_size_execute0_lowered;
	s5 =	sadd.s32 s5, s6;
	[dreg:$0x0] =	wrdreg $0x0  }
0xaa: {  	s6 =	sshll.u32 s28, $0x1;
	[dreg:$0x2] =	wrdreg s5  }
0xab: {  	[dreg:$0x3] =	wrdreg s6  }
0xac: {  	[dreg:$0x4] =	wrdreg $0xC0  }
0xad: {  	_ =	task [dreg:s9], $0x5FFFF  }
0xae: {  	[dreg:$0x1] =	wrdreg $0xFFFFFFFF  }
0xaf: {  	[dreg:$0x0] =	wrdreg $0x60  }
0xb0: {  	[dreg:$0x2] =	wrdreg s2  }
0xb1: {  	[dreg:$0x3] =	wrdreg s19  }
0xb2: {  	[dreg:$0x4] =	wrdreg s4  }
0xb3: {  	[dreg:$0x5] =	wrdreg $0x0  }
0xb4: {  	[dreg:$0x6] =	wrdreg $0x9  }
0xb5: {  	_ =	task.clear_ibuf [dreg:s9], $0x7FFFF;
	_ =	strace $0x90000046  }
0xb6: {  	s29 =	simm.s32 $0x9;
	_ =	strace $0x80000048  }
0xb7: {  	_ =	swait.ge [sflag:s29], $0x1  }
0xb8: {  	[sflag:s29] =	ssyncadd.s32 $0xFFFFFFFF  }
0xb9: {  	_ =	strace $0x90000048  }
0xba: {  	_ =	sfence  }
0xbb: {  	s30 =	sld [smem:$0x0];
	_ =	sdelay $0x2  }
0xbc: {  	s31 =	sshll.u32 s1, $0xD;
	s1 =	sshrl.u32 s1, $0x2  }
0xbd: {  	s3 =	sand.u32 $0x4000, s31;
	s1 =	sadd.s32 s1, s30  }
0xbe: {  	s0 =	sor.u32 s3, s0;
	s1 =	sshll.u32 s1, $0x11  }
0xbf: {  	s0 =	sor.u32 s1, s0  }
0xc0: {  	s0 =	sadd.s32 $0x8F2B, s0  }
0xc1: {  	[sflag:s0] =	ssyncadd.remote.s32 $0x1  }
0xc2: {  	_ =	sfence.sel $0xFFFF  }
0xc3: {  	[dreg:$0x0] =	wrdreg $0xFFFFFFFF;
	(pc) =	sbr.abs _section_cstart, $3  }
0xc4: {  	[dreg:$0x1] =	wrdreg $0xFFFFFFFF  }
0xc5: {  	_ =	task.clear_ibuf [dreg:s9], $0x2FFFF;
	_ =	strace $0x9FFFFFFF  }
0xc6: {  	(tm) =	ssettm $0x7FFFFFFF  }
0xc7: {  	_ =	shalt  }
tec
execute0_lowered:
.L_overlay_start_1:
0x0: {  	(tag) =	ssettag $0x1  }
0x1: {  	s0 =	rddreg [dreg:$0x0]  }
0x2: {  	s1 =	rddreg [dreg:$0x1]  }
0x3: {  	s4 =	rddreg [dreg:$0x2]  }
0x4: {  	s2 =	rddreg [dreg:$0x3]  }
0x5: {  	s3 =	srdreg.scid;
	s15 =	stileid.u32;
	s28 =	simm.s32 $0x1A060  }
0x6: {  	s29 =	simm.s32 $0x18000;
	s30 =	simm.s32 $0x400;
	s31 =	simm.s32 $0x800  }
0x7: {  	s5 =	sand.u32 $0x1, s3;
	s3 =	simm.s32 $0x0;
	s7 =	sshll.u32 s15, $0x7  }
0x8: {  	s26 =	sshll.u32 s15, $0xF;
	s21 =	sshll.u32 s15, $0xD;
	s15 =	simm.s32 $0x80  }
0x9: {  	s6 =	sshll.u32 s5, $0xB;
	[smem:$0x7FF] =	sst s3;
	s8 =	ssub.s32 $0x2, s5  }
0xa: {  	s5 =	sshll.u32 s5, $0x11;
	s6 =	sor.u32 s7, s6;
	_ =	strace $0x80000047  }
0xb: {  	s22 =	sshrl.u32 s8, $0x1;
	s5 =	sor.u32 s21, s5;
	s12 =	sor.u32 $0x20, s6  }
0xc: {  	s8 =	ssub.s32 s8, s22;
	s23 =	sshrl.u32 s6, $0x3;
	s13 =	sor.u32 $0x40, s6  }
0xd: {  	s14 =	sor.u32 $0x60, s6;
	s6 =	sshll.u32 s6, $0x8;
	s22 =	sadd.s32 $0x80, s0  }
0xe: {  	s16 =	sadd.s32 s4, s5;
	s4 =	simm.s32 $0x1;
	s5 =	simm.s32 $0x20  }
0xf: {  	s9 =	sshrl.u32 s12, $0x3;
	s7 =	sadd.s32 s1, s23;
	s25 =	sshrl.u32 s13, $0x3  }
0x10: {  	s10 =	sshrl.u32 s14, $0x3;
	s18 =	sadd.s32 s0, s6;
	[dreg:$0x5] =	wrdreg s7  }
0x11: {  	s17 =	sshll.u32 s12, $0x8;
	s23 =	sadd.s32 s6, s22;
	[dreg:$0x9] =	wrdreg s18  }
0x12: {  	s20 =	sshll.u32 s13, $0x8;
	s24 =	sadd.s32 s1, s9;
	[dreg:$0xd] =	wrdreg s23  }
0x13: {  	s14 =	sshll.u32 s14, $0x8;
	s7 =	sadd.s32 s1, s25;
	[dreg:$0x6] =	wrdreg s24  }
0x14: {  	s21 =	sadd.s32 $0x80, s16;
	s1 =	sadd.s32 s1, s10;
	[dreg:$0x7] =	wrdreg s7  }
0x15: {  	s6 =	simm.s32 $0x3;
	s19 =	sadd.s32 s0, s17;
	[dreg:$0x8] =	wrdreg s1  }
0x16: {  	s12 =	simm.s32 $0x4;
	s13 =	sadd.s32 s0, s20;
	[dreg:$0xa] =	wrdreg s19  }
0x17: {  	s0 =	sadd.s32 s0, s14;
	s25 =	sadd.s32 s20, s22;
	[dreg:$0xb] =	wrdreg s13  }
0x18: {  	s23 =	simm.s32 $0x1A000;
	s7 =	sadd.s32 s26, s2;
	[dreg:$0xc] =	wrdreg s0  }
0x19: {  	s24 =	sadd.s32 s17, s22;
	[dreg:$0xf] =	wrdreg s25;
	s26 =	sadd.s32 s14, s22  }
0x1a: {  	s22 =	smax.u32 s8, $0x1;
	s25 =	simm.s32 $0x1A020;
	s0 =	simm.s32 $0x8000  }
0x1b: {  	s1 =	simm.s32 $0x10000;
	s8 =	simm.s32 $0x2;
	s13 =	simm.s32 $0x8  }
0x1c: {  	s14 =	simm.s32 $0x100;
	s17 =	simm.s32 $0x0;
	s9 =	sadd.s32 $0x2000, s7  }
0x1d: {  	s10 =	sadd.s32 $0x4000, s7;
	s11 =	sadd.s32 $0x6000, s7;
	[dreg:$0xe] =	wrdreg s24  }
0x1e: {  	v0 =	vimm.f32 $0.0e+00;
	[dreg:$0x10] =	wrdreg s26;
	s24 =	simm.s32 $0x5;
	s26 =	simm.s32 $0x1A040  }
.LBB2_1:
0x1f: {  	s18 =	simm.s32 $0xFFFFFF80;
	s19 =	simm.s32 $0xFFFFFE40  }
.LBB2_2:
0x20: {  	p0 =	sne.s32 s19, $0xFFFFFFC0;
	[tilespmem:s18+$0x1A000] =	vst v0  }
0x21: {  	[tilespmem:s18+$0x18080] =	vst v0  }
0x22: {  	[tilespmem:s18+$0x18100] =	vst v0  }
0x23: {  	[tilespmem:s18+$0x18180] =	vst v0  }
0x24: {  	[tilespmem:s18+$0x18200] =	vst v0  }
0x25: {  	[tilespmem:s18+$0x18280] =	vst v0  }
0x26: {  	[tilespmem:s18+$0x18300] =	vst v0  }
0x27: {  	[tilespmem:s18+$0x18380] =	vst v0  }
0x28: {  	[tilespmem:s18+$0x18400] =	vst v0  }
0x29: {  	[tilespmem:s18+$0x18480] =	vst v0  }
0x2a: {  	[tilespmem:s18+$0x18500] =	vst v0  }
0x2b: {  	[tilespmem:s18+$0x18580] =	vst v0  }
0x2c: {  	[tilespmem:s18+$0x18600] =	vst v0  }
0x2d: {  	[tilespmem:s18+$0x18680] =	vst v0  }
0x2e: {  	[tilespmem:s18+$0x18700] =	vst v0  }
0x2f: {  	[tilespmem:s18+$0x18780] =	vst v0  }
0x30: {  	[tilespmem:s18+$0x18800] =	vst v0  }
0x31: {  	[tilespmem:s18+$0x18880] =	vst v0  }
0x32: {  	[tilespmem:s18+$0x18900] =	vst v0  }
0x33: {  	[tilespmem:s18+$0x18980] =	vst v0  }
0x34: {  	[tilespmem:s18+$0x18A00] =	vst v0  }
0x35: {  	[tilespmem:s18+$0x18A80] =	vst v0  }
0x36: {  	[tilespmem:s18+$0x18B00] =	vst v0  }
0x37: {  	[tilespmem:s18+$0x18B80] =	vst v0  }
0x38: {  	[tilespmem:s18+$0x18C00] =	vst v0  }
0x39: {  	[tilespmem:s18+$0x18C80] =	vst v0  }
0x3a: {  	[tilespmem:s18+$0x18D00] =	vst v0  }
0x3b: {  	[tilespmem:s18+$0x18D80] =	vst v0  }
0x3c: {  	[tilespmem:s18+$0x18E00] =	vst v0  }
0x3d: {  	[tilespmem:s18+$0x18E80] =	vst v0  }
0x3e: {  	[tilespmem:s18+$0x18F00] =	vst v0  }
0x3f: {  	[tilespmem:s18+$0x18F80] =	vst v0  }
0x40: {  	[tilespmem:s18+$0x19000] =	vst v0  }
0x41: {  	[tilespmem:s18+$0x19080] =	vst v0  }
0x42: {  	[tilespmem:s18+$0x19100] =	vst v0  }
0x43: {  	[tilespmem:s18+$0x19180] =	vst v0  }
0x44: {  	[tilespmem:s18+$0x19200] =	vst v0  }
0x45: {  	[tilespmem:s18+$0x19280] =	vst v0  }
0x46: {  	[tilespmem:s18+$0x19300] =	vst v0  }
0x47: {  	[tilespmem:s18+$0x19380] =	vst v0  }
0x48: {  	[tilespmem:s18+$0x19400] =	vst v0  }
0x49: {  	[tilespmem:s18+$0x19480] =	vst v0  }
0x4a: {  	[tilespmem:s18+$0x19500] =	vst v0  }
0x4b: {  	[tilespmem:s18+$0x19580] =	vst v0  }
0x4c: {  	[tilespmem:s18+$0x19600] =	vst v0  }
0x4d: {  	[tilespmem:s18+$0x19680] =	vst v0  }
0x4e: {  	[tilespmem:s18+$0x19700] =	vst v0  }
0x4f: {  	[tilespmem:s18+$0x19780] =	vst v0  }
0x50: {  	[tilespmem:s18+$0x19800] =	vst v0  }
0x51: {  	[tilespmem:s18+$0x19880] =	vst v0  }
0x52: {  	[tilespmem:s18+$0x19900] =	vst v0  }
0x53: {  	[tilespmem:s18+$0x19980] =	vst v0  }
0x54: {  	[tilespmem:s18+$0x19A00] =	vst v0  }
0x55: {  	[tilespmem:s18+$0x19A80] =	vst v0  }
0x56: {  	[tilespmem:s18+$0x19B00] =	vst v0  }
0x57: {  	[tilespmem:s18+$0x19B80] =	vst v0  }
0x58: {  	[tilespmem:s18+$0x19C00] =	vst v0  }
0x59: {  	[tilespmem:s18+$0x19C80] =	vst v0  }
0x5a: {  	[tilespmem:s18+$0x19D00] =	vst v0  }
.Ltmp0:
0x5b: {  	[tilespmem:s18+$0x19D80] =	vst v0;
	(pc) =	sbr.rel @p0 .LBB2_2-.Ltmp0, $4  }
0x5c: {  	[tilespmem:s18+$0x19E00] =	vst v0  }
0x5d: {  	[tilespmem:s18+$0x19E80] =	vst v0  }
0x5e: {  	[tilespmem:s18+$0x19F00] =	vst v0  }
0x5f: {  	[tilespmem:s18+$0x19F80] =	vst v0;
	s18 =	sshra.s32 s19, $0x2;
	s19 =	sadd.s32 $0x40, s19  }
0x60: {  	[tilespmem:s18+$0x1A000] =	vst v0  }
0x61: {  	[tilespmem:s18+$0x18080] =	vst v0  }
0x62: {  	[tilespmem:s18+$0x18100] =	vst v0  }
0x63: {  	[tilespmem:s18+$0x18180] =	vst v0  }
0x64: {  	[tilespmem:s18+$0x18200] =	vst v0  }
0x65: {  	[tilespmem:s18+$0x18280] =	vst v0  }
0x66: {  	[tilespmem:s18+$0x18300] =	vst v0  }
0x67: {  	[tilespmem:s18+$0x18380] =	vst v0  }
0x68: {  	[tilespmem:s18+$0x18400] =	vst v0  }
0x69: {  	[tilespmem:s18+$0x18480] =	vst v0  }
0x6a: {  	[tilespmem:s18+$0x18500] =	vst v0  }
0x6b: {  	[tilespmem:s18+$0x18580] =	vst v0  }
0x6c: {  	[tilespmem:s18+$0x18600] =	vst v0  }
0x6d: {  	[tilespmem:s18+$0x18680] =	vst v0  }
0x6e: {  	[tilespmem:s18+$0x18700] =	vst v0  }
0x6f: {  	[tilespmem:s18+$0x18780] =	vst v0  }
0x70: {  	[tilespmem:s18+$0x18800] =	vst v0  }
0x71: {  	[tilespmem:s18+$0x18880] =	vst v0  }
0x72: {  	[tilespmem:s18+$0x18900] =	vst v0  }
0x73: {  	[tilespmem:s18+$0x18980] =	vst v0  }
0x74: {  	[tilespmem:s18+$0x18A00] =	vst v0  }
0x75: {  	[tilespmem:s18+$0x18A80] =	vst v0  }
0x76: {  	[tilespmem:s18+$0x18B00] =	vst v0  }
0x77: {  	[tilespmem:s18+$0x18B80] =	vst v0  }
0x78: {  	[tilespmem:s18+$0x18C00] =	vst v0  }
0x79: {  	[tilespmem:s18+$0x18C80] =	vst v0  }
0x7a: {  	[tilespmem:s18+$0x18D00] =	vst v0  }
0x7b: {  	[tilespmem:s18+$0x18D80] =	vst v0  }
0x7c: {  	[tilespmem:s18+$0x18E00] =	vst v0  }
0x7d: {  	[tilespmem:s18+$0x18E80] =	vst v0  }
0x7e: {  	[tilespmem:s18+$0x18F00] =	vst v0  }
0x7f: {  	[tilespmem:s18+$0x18F80] =	vst v0  }
0x80: {  	[tilespmem:s18+$0x19000] =	vst v0  }
0x81: {  	[tilespmem:s18+$0x19080] =	vst v0  }
0x82: {  	[tilespmem:s18+$0x19100] =	vst v0  }
0x83: {  	[tilespmem:s18+$0x19180] =	vst v0  }
0x84: {  	[tilespmem:s18+$0x19200] =	vst v0  }
0x85: {  	[tilespmem:s18+$0x19280] =	vst v0  }
0x86: {  	[tilespmem:s18+$0x19300] =	vst v0  }
0x87: {  	[tilespmem:s18+$0x19380] =	vst v0  }
0x88: {  	[tilespmem:s18+$0x19400] =	vst v0  }
0x89: {  	[tilespmem:s18+$0x19480] =	vst v0  }
0x8a: {  	[tilespmem:s18+$0x19500] =	vst v0  }
0x8b: {  	[tilespmem:s18+$0x19580] =	vst v0  }
0x8c: {  	[tilespmem:s18+$0x19600] =	vst v0  }
0x8d: {  	[tilespmem:s18+$0x19680] =	vst v0  }
0x8e: {  	[tilespmem:s18+$0x19700] =	vst v0  }
0x8f: {  	[tilespmem:s18+$0x19780] =	vst v0  }
0x90: {  	[tilespmem:s18+$0x19800] =	vst v0  }
0x91: {  	[tilespmem:s18+$0x19880] =	vst v0  }
0x92: {  	[tilespmem:s18+$0x19900] =	vst v0  }
0x93: {  	[tilespmem:s18+$0x19980] =	vst v0  }
0x94: {  	[tilespmem:s18+$0x19A00] =	vst v0  }
0x95: {  	[tilespmem:s18+$0x19A80] =	vst v0  }
0x96: {  	[tilespmem:s18+$0x19B00] =	vst v0  }
0x97: {  	[tilespmem:s18+$0x19B80] =	vst v0  }
0x98: {  	[tilespmem:s18+$0x19C00] =	vst v0  }
0x99: {  	[tilespmem:s18+$0x19C80] =	vst v0  }
0x9a: {  	[tilespmem:s18+$0x19D00] =	vst v0  }
0x9b: {  	[tilespmem:s18+$0x19D80] =	vst v0  }
0x9c: {  	[tilespmem:s18+$0x19E00] =	vst v0  }
0x9d: {  	[tilespmem:s18+$0x19E80] =	vst v0  }
0x9e: {  	[tilespmem:s18+$0x19F00] =	vst v0  }
0x9f: {  	[tilespmem:s18+$0x19F80] =	vst v0;
	s20 =	rddreg [dreg:$0x5]  }
0xa0: {  	[tilespmem:s23], [sflag:$0x5] =	stream.linear.gather [hbm4b:s20+s3], $0x20, $0x38;
	[tilespmem:$0x1A080] =	vst v63  }
0xa1: {  	_ =	swait.ge [sflag:s24], $0x20  }
0xa2: {  	[sflag:s24] =	ssyncset.done $0x0  }
0xa3: {  	s19 =	rddreg [dreg:$0x6];
	[sflag:s24] =	ssyncadd.s32 $0xFFFFFFE0  }
0xa4: {  	[tilespmem:s25], [sflag:$0x5] =	stream.linear.gather [hbm4b:s19+s3], $0x20, $0x38;
	[tilespmem:$0x1A080] =	vst v63  }
0xa5: {  	_ =	swait.ge [sflag:s24], $0x20  }
0xa6: {  	[sflag:s24] =	ssyncset.done $0x0  }
0xa7: {  	s20 =	rddreg [dreg:$0x7];
	[sflag:s24] =	ssyncadd.s32 $0xFFFFFFE0  }
0xa8: {  	[tilespmem:s26], [sflag:$0x5] =	stream.linear.gather [hbm4b:s20+s3], $0x20, $0x38;
	[tilespmem:$0x1A080] =	vst v63  }
0xa9: {  	_ =	swait.ge [sflag:s24], $0x20  }
0xaa: {  	[sflag:s24] =	ssyncset.done $0x0  }
0xab: {  	s19 =	rddreg [dreg:$0x8];
	[sflag:s24] =	ssyncadd.s32 $0xFFFFFFE0  }
0xac: {  	[tilespmem:s28], [sflag:$0x5] =	stream.linear.gather [hbm4b:s19+s3], $0x20, $0x38;
	[tilespmem:$0x1A080] =	vst v63  }
0xad: {  	_ =	swait.ge [sflag:s24], $0x20  }
0xae: {  	[sflag:s24] =	ssyncset.done $0x0  }
0xaf: {  	[sflag:s24] =	ssyncadd.s32 $0xFFFFFFE0  }
0xb0: {  	[spmem:s7] =	stream.linear.scatter [tilespmem:s29], [sflag:$0x5], $0x2000, $0x38;
	[tilespmem:$0x1A080] =	vst v63  }
0xb1: {  	_ =	swait.ge [sflag:s24], $0x2000  }
0xb2: {  	[sflag:s24] =	ssyncset.done $0x0  }
0xb3: {  	[sflag:s24] =	ssyncadd.s32 $0xFFFFE000  }
0xb4: {  	[spmem:s9] =	stream.linear.scatter [tilespmem:s29], [sflag:$0x5], $0x2000, $0x38;
	[tilespmem:$0x1A080] =	vst v63  }
0xb5: {  	_ =	swait.ge [sflag:s24], $0x2000  }
0xb6: {  	[sflag:s24] =	ssyncset.done $0x0  }
0xb7: {  	[sflag:s24] =	ssyncadd.s32 $0xFFFFE000  }
0xb8: {  	[spmem:s10] =	stream.linear.scatter [tilespmem:s29], [sflag:$0x5], $0x2000, $0x38;
	[tilespmem:$0x1A080] =	vst v63  }
0xb9: {  	_ =	swait.ge [sflag:s24], $0x2000  }
0xba: {  	[sflag:s24] =	ssyncset.done $0x0  }
0xbb: {  	[sflag:s24] =	ssyncadd.s32 $0xFFFFE000  }
0xbc: {  	[spmem:s11] =	stream.linear.scatter [tilespmem:s29], [sflag:$0x5], $0x2000, $0x38;
	[tilespmem:$0x1A080] =	vst v63  }
0xbd: {  	_ =	swait.ge [sflag:s24], $0x2000  }
0xbe: {  	[sflag:s24] =	ssyncset.done $0x0  }
0xbf: {  	[sflag:s24] =	ssyncadd.s32 $0xFFFFE000  }
0xc0: {  	[bflag:$0x0] =	sbarrier.arrive $0xFFFF  }
0xc1: {  	s20 =	rddreg [dreg:$0x9]  }
0xc2: {  	[tilespmem:s0], [sflag:$0x1] =	stream.strided.gather [hbm4b:s20+s30], $0x8000, s31, s30, $0x38;
	[tilespmem:$0x1A080] =	vst v63  }
0xc3: {  	s19 =	rddreg [dreg:$0xa]  }
0xc4: {  	[tilespmem:s1], [sflag:$0x2] =	stream.strided.gather [hbm4b:s19+s30], $0x8000, s31, s30, $0x38;
	[tilespmem:$0x1A080] =	vst v63  }
0xc5: {  	_ =	swait.ge [sflag:s4], $0x8000  }
0xc6: {  	[sflag:s4] =	ssyncset.done $0x0  }
0xc7: {  	[sflag:s4] =	ssyncadd.s32 $0xFFFF8000  }
0xc8: {  	[spmem:s2] =	stream.indirect.scatter.add.f32 [tilespmem:s0], [sflag:$0x3], $0x400, s23, s5, $0xb8;
	[tilespmem:$0x1A080] =	vst v63  }
0xc9: {  	_ =	swait.ge [sflag:s6], $0x8000  }
0xca: {  	[sflag:s6] =	ssyncset.done $0x0  }
0xcb: {  	s20 =	rddreg [dreg:$0xb];
	[sflag:s6] =	ssyncadd.s32 $0xFFFF8000  }
0xcc: {  	[tilespmem:s0], [sflag:$0x1] =	stream.strided.gather [hbm4b:s20+s30], $0x8000, s31, s30, $0x38;
	[tilespmem:$0x1A080] =	vst v63  }
0xcd: {  	_ =	swait.ge [sflag:s8], $0x8000  }
0xce: {  	[sflag:s8] =	ssyncset.done $0x0  }
0xcf: {  	[sflag:s8] =	ssyncadd.s32 $0xFFFF8000  }
0xd0: {  	[spmem:s2] =	stream.indirect.scatter.add.f32 [tilespmem:s1], [sflag:$0x4], $0x400, s25, s5, $0xb8;
	[tilespmem:$0x1A080] =	vst v63  }
0xd1: {  	_ =	swait.ge [sflag:s12], $0x8000  }
0xd2: {  	[sflag:s12] =	ssyncset.done $0x0  }
0xd3: {  	s19 =	rddreg [dreg:$0xc];
	[sflag:s12] =	ssyncadd.s32 $0xFFFF8000  }
0xd4: {  	[tilespmem:s1], [sflag:$0x2] =	stream.strided.gather [hbm4b:s19+s30], $0x8000, s31, s30, $0x38;
	[tilespmem:$0x1A080] =	vst v63  }
0xd5: {  	_ =	swait.ge [sflag:s4], $0x8000  }
0xd6: {  	[sflag:s4] =	ssyncset.done $0x0  }
0xd7: {  	[sflag:s4] =	ssyncadd.s32 $0xFFFF8000  }
0xd8: {  	[spmem:s2] =	stream.indirect.scatter.add.f32 [tilespmem:s0], [sflag:$0x3], $0x400, s26, s5, $0xb8;
	[tilespmem:$0x1A080] =	vst v63  }
0xd9: {  	_ =	swait.ge [sflag:s8], $0x8000  }
0xda: {  	[sflag:s8] =	ssyncset.done $0x0  }
0xdb: {  	[sflag:s8] =	ssyncadd.s32 $0xFFFF8000  }
0xdc: {  	[spmem:s2] =	stream.indirect.scatter.add.f32 [tilespmem:s1], [sflag:$0x4], $0x400, s28, s5, $0xb8;
	[tilespmem:$0x1A080] =	vst v63  }
0xdd: {  	_ =	swait.ge [sflag:s6], $0x8000  }
0xde: {  	[sflag:s6] =	ssyncset.done $0x0  }
0xdf: {  	[sflag:s6] =	ssyncadd.s32 $0xFFFF8000  }
0xe0: {  	_ =	swait.ge [sflag:s12], $0x8000  }
0xe1: {  	s20 =	stileid.u32;
	[sflag:s12] =	ssyncset.done $0x0  }
0xe2: {  	s18 =	sshll.u32 s20, $0x6;
	[sflag:s12] =	ssyncadd.s32 $0xFFFF8000  }
0xe3: {  	s18 =	sor.u32 $0x1C05, s18;
	s19 =	sshrl.u32 s7, $0x3;
	[bflag:$0x0] =	sbarrier.arrive $0xFFFF  }
0xe4: {  	[hbm:s16@s14], [sflag:s18] =	dma.strided [spmem:s19@s15], $0x1000, s13, $0x10   }
0xe5: {  	_ =	swait.ge [sflag:s24], $0x1000  }
0xe6: {  	[sflag:s24] =	ssyncset.done $0x0  }
0xe7: {  	[sflag:s24] =	ssyncadd.s32 $0xFFFFF000  }
0xe8: {  	[spmem:s7] =	stream.linear.scatter [tilespmem:s29], [sflag:$0x5], $0x2000, $0x38;
	[tilespmem:$0x1A080] =	vst v63  }
0xe9: {  	_ =	swait.ge [sflag:s24], $0x2000  }
0xea: {  	[sflag:s24] =	ssyncset.done $0x0  }
0xeb: {  	[sflag:s24] =	ssyncadd.s32 $0xFFFFE000  }
0xec: {  	[spmem:s9] =	stream.linear.scatter [tilespmem:s29], [sflag:$0x5], $0x2000, $0x38;
	[tilespmem:$0x1A080] =	vst v63  }
0xed: {  	_ =	swait.ge [sflag:s24], $0x2000  }
0xee: {  	[sflag:s24] =	ssyncset.done $0x0  }
0xef: {  	[sflag:s24] =	ssyncadd.s32 $0xFFFFE000  }
0xf0: {  	[spmem:s10] =	stream.linear.scatter [tilespmem:s29], [sflag:$0x5], $0x2000, $0x38;
	[tilespmem:$0x1A080] =	vst v63  }
0xf1: {  	_ =	swait.ge [sflag:s24], $0x2000  }
0xf2: {  	[sflag:s24] =	ssyncset.done $0x0  }
0xf3: {  	[sflag:s24] =	ssyncadd.s32 $0xFFFFE000  }
0xf4: {  	[spmem:s11] =	stream.linear.scatter [tilespmem:s29], [sflag:$0x5], $0x2000, $0x38;
	[tilespmem:$0x1A080] =	vst v63  }
0xf5: {  	_ =	swait.ge [sflag:s24], $0x2000  }
0xf6: {  	[sflag:s24] =	ssyncset.done $0x0  }
0xf7: {  	[sflag:s24] =	ssyncadd.s32 $0xFFFFE000  }
0xf8: {  	[bflag:$0x0] =	sbarrier.arrive $0xFFFF  }
0xf9: {  	s20 =	rddreg [dreg:$0xd]  }
0xfa: {  	[tilespmem:s0], [sflag:$0x1] =	stream.strided.gather [hbm4b:s20+s30], $0x8000, s31, s30, $0x38;
	[tilespmem:$0x1A080] =	vst v63  }
0xfb: {  	s20 =	rddreg [dreg:$0xe]  }
0xfc: {  	[tilespmem:s1], [sflag:$0x2] =	stream.strided.gather [hbm4b:s20+s30], $0x8000, s31, s30, $0x38;
	[tilespmem:$0x1A080] =	vst v63  }
0xfd: {  	_ =	swait.ge [sflag:s4], $0x8000  }
0xfe: {  	[sflag:s4] =	ssyncset.done $0x0  }
0xff: {  	[sflag:s4] =	ssyncadd.s32 $0xFFFF8000  }
0x100: {  	[spmem:s2] =	stream.indirect.scatter.add.f32 [tilespmem:s0], [sflag:$0x3], $0x400, s23, s5, $0xb8;
	[tilespmem:$0x1A080] =	vst v63  }
0x101: {  	_ =	swait.ge [sflag:s6], $0x8000  }
0x102: {  	[sflag:s6] =	ssyncset.done $0x0  }
0x103: {  	s20 =	rddreg [dreg:$0xf];
	[sflag:s6] =	ssyncadd.s32 $0xFFFF8000  }
0x104: {  	[tilespmem:s0], [sflag:$0x1] =	stream.strided.gather [hbm4b:s20+s30], $0x8000, s31, s30, $0x38;
	[tilespmem:$0x1A080] =	vst v63  }
0x105: {  	_ =	swait.ge [sflag:s8], $0x8000  }
0x106: {  	[sflag:s8] =	ssyncset.done $0x0  }
0x107: {  	[sflag:s8] =	ssyncadd.s32 $0xFFFF8000  }
0x108: {  	[spmem:s2] =	stream.indirect.scatter.add.f32 [tilespmem:s1], [sflag:$0x4], $0x400, s25, s5, $0xb8;
	[tilespmem:$0x1A080] =	vst v63  }
0x109: {  	_ =	swait.ge [sflag:s12], $0x8000  }
0x10a: {  	[sflag:s12] =	ssyncset.done $0x0  }
0x10b: {  	s20 =	rddreg [dreg:$0x10];
	[sflag:s12] =	ssyncadd.s32 $0xFFFF8000  }
0x10c: {  	[tilespmem:s1], [sflag:$0x2] =	stream.strided.gather [hbm4b:s20+s30], $0x8000, s31, s30, $0x38;
	[tilespmem:$0x1A080] =	vst v63  }
0x10d: {  	_ =	swait.ge [sflag:s4], $0x8000  }
0x10e: {  	[sflag:s4] =	ssyncset.done $0x0  }
0x10f: {  	[sflag:s4] =	ssyncadd.s32 $0xFFFF8000  }
0x110: {  	[spmem:s2] =	stream.indirect.scatter.add.f32 [tilespmem:s0], [sflag:$0x3], $0x400, s26, s5, $0xb8;
	[tilespmem:$0x1A080] =	vst v63  }
0x111: {  	_ =	swait.ge [sflag:s8], $0x8000  }
0x112: {  	[sflag:s8] =	ssyncset.done $0x0  }
0x113: {  	[sflag:s8] =	ssyncadd.s32 $0xFFFF8000  }
0x114: {  	[spmem:s2] =	stream.indirect.scatter.add.f32 [tilespmem:s1], [sflag:$0x4], $0x400, s28, s5, $0xb8;
	[tilespmem:$0x1A080] =	vst v63  }
0x115: {  	_ =	swait.ge [sflag:s6], $0x8000  }
0x116: {  	[sflag:s6] =	ssyncset.done $0x0  }
0x117: {  	[sflag:s6] =	ssyncadd.s32 $0xFFFF8000  }
0x118: {  	_ =	swait.ge [sflag:s12], $0x8000  }
0x119: {  	s17 =	sadd.s32 $0x1, s17;
	[sflag:s12] =	ssyncset.done $0x0  }
0x11a: {  	p0 =	sne.s32 s17, s22;
	[sflag:s12] =	ssyncadd.s32 $0xFFFF8000  }
.Ltmp1:
0x11b: {  	[bflag:$0x0] =	sbarrier.arrive $0xFFFF;
	(pc) =	sbr.rel @p0 .LBB2_1-.Ltmp1, $4  }
0x11c: {  	[hbm:s21@s14], [sflag:s18] =	dma.strided [spmem:s19@s15], $0x1000, s13, $0x10   }
0x11d: {  	_ =	swait.ge [sflag:s24], $0x1000  }
0x11e: {  	[sflag:s24] =	ssyncset.done $0x0  }
0x11f: {  	[sflag:s24] =	ssyncadd.s32 $0xFFFFF000  }
0x120: {  	_ =	sfence.sel $0x180000  }
0x121: {  	[bflag:$0x0] =	sbarrier.arrive $0xFFFF  }
0x122: {  	_ =	strace $0x90000047  }
0x123: {  	s0 =	stileid.u32;
	[bflag:$0x2] =	sbarrier.arrive $0xFFFF  }
0x124: {  	p0 =	sne.s32 s0, $0x0;
	s0 =	rddreg [dreg:$0x4]  }
0x125: {  	s0 =	sadd.s32 @!p0 $0x100000, s0  }
0x126: {  	[sflag:s0] =	ssyncadd.tile.s32 @!p0 $0x1;
	_ =	shalt  }
.Lfunc_end2:
_tile_overlayer_lowered:
.L_overlay_start_2:
0x127: {  	(tag) =	ssettag $0x2  }
0x128: {  	s0 =	rddreg [dreg:$0x0];
	s2 =	stileid.u32  }
0x129: {  	s1 =	rddreg [dreg:$0x1];
	p0 =	sne.s32 s2, $0x0  }
0x12a: {  	s3 =	rddreg [dreg:$0x2];
	[bflag:$0x3] =	sbarrier.arrive $0xFFFF;
	s2 =	simm.s32 @!p0 $0x1C05  }
0x12b: {  	[timem:s3], [sflag:s2] =	dma.local @!p0 [hbm:s0], s1  }
0x12c: {  	s0 =	simm.s32 @!p0 $0x5  }
0x12d: {  	_ =	swait.ge @!p0 [sflag:s0], s1  }
0x12e: {  	s1 =	ssub.s32 @!p0 $0x0, s1;
	[sflag:s0] =	ssyncset.done @!p0 $0x0  }
0x12f: {  	[sflag:s0] =	ssyncadd.s32 @!p0 s1  }
0x130: {  	[bflag:$0x3] =	sbarrier.arrive $0xFFFF  }
0x131: {  	_ =	shalt  }

</sc_bundles>
